<compile_context>
chip_gen: v7x
topology: tpu7x:2x2x1
jax: 0.10.2.dev20260603
libtpu: 0.0.44.dev20260713+nightly
codegen_flags: <defaults>
</compile_context>

<pallas_src>
import functools

import jax
import jax.numpy as jnp
from jax import lax
from jax.experimental import pallas as pl
from jax.experimental.pallas import tpu as pltpu
from jax.experimental.pallas import tpu_sc as plsc

D = 256
NC, NS = 2, 16
NW = NC * NS
W = 64
NB = 4
R = 16
IB = 2048
CPB = IB // W


def _sc_gather(tokens_flat, table_repl):
    B = tokens_flat.shape[0]
    b_per_w = B // NW
    n_outer = b_per_w // IB
    mesh = plsc.VectorSubcoreMesh(core_axis_name="c", subcore_axis_name="s")

    @functools.partial(
        pl.kernel,
        mesh=mesh,
        out_type=jax.ShapeDtypeStruct((B, D), jnp.float32),
        scratch_types=(
            [pltpu.VMEM((IB,), jnp.int32)] * 2
            + [pltpu.VMEM((W, D), jnp.float32)] * NB
            + [pltpu.SemaphoreType.DMA] * (2 + 2 * NB)
        ),
    )
    def k(tab_hbm, idx_hbm, out_hbm, idx0, idx1, *bufs):
        rows = bufs[:NB]
        isem = bufs[NB:NB + 2]
        gs = bufs[NB + 2:NB + 2 + NB]
        ws = bufs[NB + 2 + NB:]
        idxs = (idx0, idx1)
        wid = lax.axis_index("s") * NC + lax.axis_index("c")
        base = wid * b_per_w

        def load_idx(o, p):
            pltpu.async_copy(
                idx_hbm.at[pl.ds(base + o * IB, IB)], idxs[p], isem[p]
            )

        def wait_idx(p):
            pltpu.make_async_copy(
                idx_hbm.at[pl.ds(base, IB)], idxs[p], isem[p]
            ).wait()

        def inner(o, idx_v):
            obase = base + o * IB

            @pl.loop(0, CPB, step=NB)
            def _(ci):
                handles = []
                for b in range(NB):
                    c = ci + b
                    off = obase + c * W

                    @pl.when(jnp.logical_or(o > 0, ci >= NB))
                    def _():
                        pltpu.make_async_copy(
                            rows[b], out_hbm.at[pl.ds(off, W)], ws[b]
                        ).wait()

                    handles.append(
                        pltpu.async_copy(
                            tab_hbm.at[wid * R + b * 4 + ((ci // NB) & 3)].at[
                                idx_v.at[pl.ds(c * W, W)]],
                            rows[b],
                            gs[b],
                        )
                    )
                for b in range(NB):
                    c = ci + b
                    off = obase + c * W
                    handles[b].wait()
                    pltpu.async_copy(rows[b], out_hbm.at[pl.ds(off, W)], ws[b])

        load_idx(0, 0)

        @pl.loop(0, n_outer, step=2)
        def _(o):
            load_idx(o + 1, 1)
            wait_idx(0)
            inner(o, idx0)

            @pl.when(o + 2 < n_outer)
            def _():
                load_idx(o + 2, 0)

            wait_idx(1)
            inner(o + 1, idx1)

        for b in range(NB):
            pltpu.make_async_copy(
                rows[b], out_hbm.at[pl.ds(base, W)], ws[b]
            ).wait()

    return k(table_repl, tokens_flat)


def kernel(tokens, table):
    bsz, seq = tokens.shape
    table_repl = jnp.broadcast_to(table, (NW * R,) + table.shape)
    idx = tokens.reshape(bsz * seq).astype(jnp.int32)
    out = _sc_gather(idx, table_repl)
    return out.reshape(bsz, seq, D)

# --- scband reference (transcript-rebuilt; emitter-appended) ---
"""Pipeline reference for scband-peptide-encoder-80702435492488 (READ-ONLY COPY).

The authoritative reference and input builder live on the scoring server;
editing this copy changes nothing except your own understanding.
"""

import jax, jax.numpy as jnp
import numpy as np

VOCAB = 22
EMBED_DIM = 256
BATCH = 16384
SEQ = 200

def setup_inputs(seed: int = 0) -> dict:
    key = jax.random.key(seed)
    k_tok, k_emb = jax.random.split(key)
    tokens = jax.random.randint(k_tok, (BATCH, SEQ), 0, VOCAB, dtype=jnp.int64 if jax.config.jax_enable_x64 else jnp.int32)
    # nn.Embedding default init: N(0,1); padding_idx=0 row is zeroed at init
    table = jax.random.normal(k_emb, (VOCAB, EMBED_DIM), dtype=jnp.float32)
    table = table.at[0].set(0.0)
    return {"tokens": tokens, "table": table}

def reference(tokens, table):
    # Faithful to nn.Embedding(vocab, dim, padding_idx=0).forward(tokens):
    # a plain row gather; padding row is zeros by construction.
    return jnp.take(table, tokens, axis=0)

if __name__ == "__main__":
    import jax
    _d = setup_inputs()
    print(jax.jit(kernel)(*tuple(_d.values())))

</pallas_src>

<mosaic_0001>
#map = affine_map<(d0, d1) -> (0, 0, 0)>
#map1 = affine_map<(d0, d1) -> (0)>
#map2 = affine_map<(d0, d1) -> (0, 0)>
module attributes {stable_mosaic.version = 14 : i64} {
  func.func @k(%arg0: i32, %arg1: i32, %arg2: memref<512x22x256xf32, #tpu.memory_space<hbm>>, %arg3: memref<3276800xi32, #tpu.memory_space<hbm>>, %arg4: memref<3276800x256xf32, #tpu.memory_space<hbm>>, %arg5: memref<2048xi32, #tpu.memory_space<vmem>>, %arg6: memref<2048xi32, #tpu.memory_space<vmem>>, %arg7: memref<64x256xf32, #tpu.memory_space<vmem>>, %arg8: memref<64x256xf32, #tpu.memory_space<vmem>>, %arg9: memref<64x256xf32, #tpu.memory_space<vmem>>, %arg10: memref<64x256xf32, #tpu.memory_space<vmem>>, %arg11: memref<!tpu.dma_semaphore, #tpu.memory_space<semaphore_mem>>, %arg12: memref<!tpu.dma_semaphore, #tpu.memory_space<semaphore_mem>>, %arg13: memref<!tpu.dma_semaphore, #tpu.memory_space<semaphore_mem>>, %arg14: memref<!tpu.dma_semaphore, #tpu.memory_space<semaphore_mem>>, %arg15: memref<!tpu.dma_semaphore, #tpu.memory_space<semaphore_mem>>, %arg16: memref<!tpu.dma_semaphore, #tpu.memory_space<semaphore_mem>>, %arg17: memref<!tpu.dma_semaphore, #tpu.memory_space<semaphore_mem>>, %arg18: memref<!tpu.dma_semaphore, #tpu.memory_space<semaphore_mem>>, %arg19: memref<!tpu.dma_semaphore, #tpu.memory_space<semaphore_mem>>, %arg20: memref<!tpu.dma_semaphore, #tpu.memory_space<semaphore_mem>>) attributes {dimension_semantics = [#tpu.dimension_semantics<core_parallel>, #tpu.dimension_semantics<subcore_parallel>], iteration_bounds = array<i64: 2, 16>, scalar_prefetch = 0 : i64, scratch_operands = 16 : i64, tpu.core_type = #tpu.core_type<sc_vector_subcore>, window_params = [{transform_indices = #map}, {transform_indices = #map1}, {transform_indices = #map2}]} {
    %mul3A = arith.constant 2 : i32
    %mul3A_0 = arith.muli %arg1, %mul3A : i32
    %add3A = arith.addi %mul3A_0, %arg0 : i32
    %mul3A_1 = arith.constant 102400 : i32
    %mul3A_2 = arith.muli %add3A, %mul3A_1 : i32
    %add3A_3 = arith.constant 0 : i32
    %add3A_4 = arith.addi %mul3A_2, %add3A_3 : i32
    %dma_start3A = tpu.memref_slice %arg3[%add3A_4] : memref<3276800xi32, #tpu.memory_space<hbm>> -> memref<2048xi32, #tpu.memory_space<hbm>>
    %dma_start3A_5 = tpu.memref_slice %arg3[%add3A_4] : memref<3276800xi32, #tpu.memory_space<hbm>> -> memref<2048xi32, #tpu.memory_space<hbm>>
    tpu.enqueue_dma source(%dma_start3A_5 : memref<2048xi32, #tpu.memory_space<hbm>>) target(%arg5 : memref<2048xi32, #tpu.memory_space<vmem>>) target_semaphore(%arg11 : memref<!tpu.dma_semaphore, #tpu.memory_space<semaphore_mem>>)
    %scan3A = arith.constant 0 : i32
    %scan3A_6 = arith.constant 25 : i32
    %scan3A_7 = arith.addi %scan3A, %scan3A_6 : i32
    %scan3A_8 = arith.constant 1 : i32
    scf.for %scan3A_25 = %scan3A to %scan3A_7 step %scan3A_8  : i32 {
      %mul3A_26 = arith.constant 2 : i32
      %mul3A_27 = arith.muli %scan3A_25, %mul3A_26 : i32
      %add3A_28 = arith.constant 0 : i32
      %add3A_29 = arith.addi %add3A_28, %mul3A_27 : i32
      %add3A_30 = arith.constant 1 : i32
      %add3A_31 = arith.addi %add3A_29, %add3A_30 : i32
      %mul3A_32 = arith.constant 2048 : i32
      %mul3A_33 = arith.muli %add3A_31, %mul3A_32 : i32
      %add3A_34 = arith.addi %mul3A_2, %mul3A_33 : i32
      %dma_start3A_35 = tpu.memref_slice %arg3[%add3A_34] : memref<3276800xi32, #tpu.memory_space<hbm>> -> memref<2048xi32, #tpu.memory_space<hbm>>
      %dma_start3A_36 = tpu.memref_slice %arg3[%add3A_34] : memref<3276800xi32, #tpu.memory_space<hbm>> -> memref<2048xi32, #tpu.memory_space<hbm>>
      tpu.enqueue_dma source(%dma_start3A_36 : memref<2048xi32, #tpu.memory_space<hbm>>) target(%arg6 : memref<2048xi32, #tpu.memory_space<vmem>>) target_semaphore(%arg12 : memref<!tpu.dma_semaphore, #tpu.memory_space<semaphore_mem>>)
      %dma_wait3A_37 = tpu.memref_slice %arg3[%mul3A_2] : memref<3276800xi32, #tpu.memory_space<hbm>> -> memref<2048xi32, #tpu.memory_space<hbm>>
      %dma_wait3A_38 = tpu.memref_slice %arg3[%mul3A_2] : memref<3276800xi32, #tpu.memory_space<hbm>> -> memref<2048xi32, #tpu.memory_space<hbm>>
      tpu.wait_dma2 semaphore(%arg11 : memref<!tpu.dma_semaphore, #tpu.memory_space<semaphore_mem>>) src(%dma_wait3A_38 : memref<2048xi32, #tpu.memory_space<hbm>>) dst(%arg5 : memref<2048xi32, #tpu.memory_space<vmem>>)
      %mul3A_39 = arith.constant 2048 : i32
      %mul3A_40 = arith.muli %add3A_29, %mul3A_39 : i32
      %add3A_41 = arith.addi %mul3A_2, %mul3A_40 : i32
      %scan3A_42 = arith.constant 0 : i32
      %scan3A_43 = arith.constant 8 : i32
      %scan3A_44 = arith.addi %scan3A_42, %scan3A_43 : i32
      %scan3A_45 = arith.constant 1 : i32
      scf.for %scan3A_63 = %scan3A_42 to %scan3A_44 step %scan3A_45  : i32 {
        %mul3A_64 = arith.constant 4 : i32
        %mul3A_65 = arith.muli %scan3A_63, %mul3A_64 : i32
        %add3A_66 = arith.constant 0 : i32
        %add3A_67 = arith.addi %add3A_66, %mul3A_65 : i32
        %add3A_68 = arith.constant 0 : i32
        %add3A_69 = arith.addi %add3A_67, %add3A_68 : i32
        %mul3A_70 = arith.constant 64 : i32
        %mul3A_71 = arith.muli %add3A_69, %mul3A_70 : i32
        %add3A_72 = arith.addi %add3A_41, %mul3A_71 : i32
        %gt3A = arith.constant 0 : i32
        %gt3A_73 = arith.cmpi sgt, %add3A_29, %gt3A : i32
        %ge3A = arith.constant 4 : i32
        %ge3A_74 = arith.cmpi sge, %add3A_67, %ge3A : i32
        %or3A = arith.ori %gt3A_73, %ge3A_74 : i1
        %convert_element_type3A_75 = arith.extui %or3A : i1 to i32
        %cond3A_76 = arith.constant 0 : i32
        %cond3A_77 = arith.cmpi ne, %convert_element_type3A_75, %cond3A_76 : i32
        scf.if %cond3A_77 {
          %dma_wait3A_341 = arith.constant 0 : i32
          %dma_wait3A_342 = tpu.memref_slice %arg4[%add3A_72, %dma_wait3A_341] : memref<3276800x256xf32, #tpu.memory_space<hbm>> -> memref<64x256xf32, #tpu.memory_space<hbm>>
          %dma_wait3A_343 = arith.constant 0 : i32
          %dma_wait3A_344 = tpu.memref_slice %arg4[%add3A_72, %dma_wait3A_343] : memref<3276800x256xf32, #tpu.memory_space<hbm>> -> memref<64x256xf32, #tpu.memory_space<hbm>>
          tpu.wait_dma2 semaphore(%arg17 : memref<!tpu.dma_semaphore, #tpu.memory_space<semaphore_mem>>) src(%arg7 : memref<64x256xf32, #tpu.memory_space<vmem>>) dst(%dma_wait3A_344 : memref<64x256xf32, #tpu.memory_space<hbm>>)
        } else {
        }
        %mul3A_78 = arith.constant 16 : i32
        %mul3A_79 = arith.muli %add3A, %mul3A_78 : i32
        %add3A_80 = arith.constant 0 : i32
        %add3A_81 = arith.addi %mul3A_79, %add3A_80 : i32
        %jit3A = arith.constant 4 : i32
        %div3A = arith.divsi %add3A_67, %jit3A : i32
        %sign3A = arith.constant 0 : i32
        %sign3A_82 = arith.cmpi sgt, %add3A_67, %sign3A : i32
        %sign3A_83 = arith.extui %sign3A_82 : i1 to i32
        %sign3A_84 = arith.constant 0 : i32
        %sign3A_85 = arith.cmpi slt, %add3A_67, %sign3A_84 : i32
        %sign3A_86 = arith.extui %sign3A_85 : i1 to i32
        %sign3A_87 = arith.subi %sign3A_83, %sign3A_86 : i32
        %sign3A_88 = arith.constant 0 : i32
        %sign3A_89 = arith.cmpi sgt, %jit3A, %sign3A_88 : i32
        %sign3A_90 = arith.extui %sign3A_89 : i1 to i32
        %sign3A_91 = arith.constant 0 : i32
        %sign3A_92 = arith.cmpi slt, %jit3A, %sign3A_91 : i32
        %sign3A_93 = arith.extui %sign3A_92 : i1 to i32
        %sign3A_94 = arith.subi %sign3A_90, %sign3A_93 : i32
        %ne3A = arith.cmpi ne, %sign3A_87, %sign3A_94 : i32
        %rem3A = arith.remsi %add3A_67, %jit3A : i32
        %ne3A_95 = arith.constant 0 : i32
        %ne3A_96 = arith.cmpi ne, %rem3A, %ne3A_95 : i32
        %and3A = arith.andi %ne3A, %ne3A_96 : i1
        %sub3A = arith.constant 1 : i32
        %sub3A_97 = arith.subi %div3A, %sub3A : i32
        %select_n3A = arith.select %and3A, %sub3A_97, %div3A : i32
        %and3A_98 = arith.constant 3 : i32
        %and3A_99 = arith.andi %select_n3A, %and3A_98 : i32
        %add3A_100 = arith.addi %add3A_81, %and3A_99 : i32
        %mul3A_101 = arith.constant 64 : i32
        %mul3A_102 = arith.muli %add3A_69, %mul3A_101 : i32
        %dma_start3A_103 = tpu.memref_slice %arg5[%mul3A_102] : memref<2048xi32, #tpu.memory_space<vmem>> -> memref<64xi32, #tpu.memory_space<vmem>>
        %dma_start3A_104 = arith.constant 0 : i32
        %dma_start3A_105 = arith.constant 0 : i32
        %dma_start3A_106 = tpu.memref_slice %arg2[%add3A_100, %dma_start3A_104, %dma_start3A_105] : memref<512x22x256xf32, #tpu.memory_space<hbm>> -> memref<1x22x256xf32, #tpu.memory_space<hbm>>
        %dma_start3A_107 = tpu.memref_squeeze %dma_start3A_106 : memref<1x22x256xf32, #tpu.memory_space<hbm>> -> memref<22x256xf32, #tpu.memory_space<hbm>>
        %dma_start3A_108 = arith.constant 0 : i32
        %dma_start3A_109 = arith.constant 0 : i32
        %dma_start3A_110 = tpu.memref_slice %dma_start3A_107[%dma_start3A_108, %dma_start3A_109] : memref<22x256xf32, #tpu.memory_space<hbm>> -> memref<22x256xf32, #tpu.memory_space<hbm>>
        tpu.enqueue_indirect_dma source(%dma_start3A_110 : memref<22x256xf32, #tpu.memory_space<hbm>>) target(%arg7 : memref<64x256xf32, #tpu.memory_space<vmem>>) offsets(%dma_start3A_103 : memref<64xi32, #tpu.memory_space<vmem>>) semaphore(%arg13 : memref<!tpu.dma_semaphore, #tpu.memory_space<semaphore_mem>>)
        %add3A_111 = arith.constant 1 : i32
        %add3A_112 = arith.addi %add3A_67, %add3A_111 : i32
        %mul3A_113 = arith.constant 64 : i32
        %mul3A_114 = arith.muli %add3A_112, %mul3A_113 : i32
        %add3A_115 = arith.addi %add3A_41, %mul3A_114 : i32
        %gt3A_116 = arith.constant 0 : i32
        %gt3A_117 = arith.cmpi sgt, %add3A_29, %gt3A_116 : i32
        %ge3A_118 = arith.constant 4 : i32
        %ge3A_119 = arith.cmpi sge, %add3A_67, %ge3A_118 : i32
        %or3A_120 = arith.ori %gt3A_117, %ge3A_119 : i1
        %convert_element_type3A_121 = arith.extui %or3A_120 : i1 to i32
        %cond3A_122 = arith.constant 0 : i32
        %cond3A_123 = arith.cmpi ne, %convert_element_type3A_121, %cond3A_122 : i32
        scf.if %cond3A_123 {
          %dma_wait3A_341 = arith.constant 0 : i32
          %dma_wait3A_342 = tpu.memref_slice %arg4[%add3A_115, %dma_wait3A_341] : memref<3276800x256xf32, #tpu.memory_space<hbm>> -> memref<64x256xf32, #tpu.memory_space<hbm>>
          %dma_wait3A_343 = arith.constant 0 : i32
          %dma_wait3A_344 = tpu.memref_slice %arg4[%add3A_115, %dma_wait3A_343] : memref<3276800x256xf32, #tpu.memory_space<hbm>> -> memref<64x256xf32, #tpu.memory_space<hbm>>
          tpu.wait_dma2 semaphore(%arg18 : memref<!tpu.dma_semaphore, #tpu.memory_space<semaphore_mem>>) src(%arg8 : memref<64x256xf32, #tpu.memory_space<vmem>>) dst(%dma_wait3A_344 : memref<64x256xf32, #tpu.memory_space<hbm>>)
        } else {
        }
        %mul3A_124 = arith.constant 16 : i32
        %mul3A_125 = arith.muli %add3A, %mul3A_124 : i32
        %add3A_126 = arith.constant 4 : i32
        %add3A_127 = arith.addi %mul3A_125, %add3A_126 : i32
        %jit3A_128 = arith.constant 4 : i32
        %div3A_129 = arith.divsi %add3A_67, %jit3A_128 : i32
        %sign3A_130 = arith.constant 0 : i32
        %sign3A_131 = arith.cmpi sgt, %add3A_67, %sign3A_130 : i32
        %sign3A_132 = arith.extui %sign3A_131 : i1 to i32
        %sign3A_133 = arith.constant 0 : i32
        %sign3A_134 = arith.cmpi slt, %add3A_67, %sign3A_133 : i32
        %sign3A_135 = arith.extui %sign3A_134 : i1 to i32
        %sign3A_136 = arith.subi %sign3A_132, %sign3A_135 : i32
        %sign3A_137 = arith.constant 0 : i32
        %sign3A_138 = arith.cmpi sgt, %jit3A_128, %sign3A_137 : i32
        %sign3A_139 = arith.extui %sign3A_138 : i1 to i32
        %sign3A_140 = arith.constant 0 : i32
        %sign3A_141 = arith.cmpi slt, %jit3A_128, %sign3A_140 : i32
        %sign3A_142 = arith.extui %sign3A_141 : i1 to i32
        %sign3A_143 = arith.subi %sign3A_139, %sign3A_142 : i32
        %ne3A_144 = arith.cmpi ne, %sign3A_136, %sign3A_143 : i32
        %rem3A_145 = arith.remsi %add3A_67, %jit3A_128 : i32
        %ne3A_146 = arith.constant 0 : i32
        %ne3A_147 = arith.cmpi ne, %rem3A_145, %ne3A_146 : i32
        %and3A_148 = arith.andi %ne3A_144, %ne3A_147 : i1
        %sub3A_149 = arith.constant 1 : i32
        %sub3A_150 = arith.subi %div3A_129, %sub3A_149 : i32
        %select_n3A_151 = arith.select %and3A_148, %sub3A_150, %div3A_129 : i32
        %and3A_152 = arith.constant 3 : i32
        %and3A_153 = arith.andi %select_n3A_151, %and3A_152 : i32
        %add3A_154 = arith.addi %add3A_127, %and3A_153 : i32
        %mul3A_155 = arith.constant 64 : i32
        %mul3A_156 = arith.muli %add3A_112, %mul3A_155 : i32
        %dma_start3A_157 = tpu.memref_slice %arg5[%mul3A_156] : memref<2048xi32, #tpu.memory_space<vmem>> -> memref<64xi32, #tpu.memory_space<vmem>>
        %dma_start3A_158 = arith.constant 0 : i32
        %dma_start3A_159 = arith.constant 0 : i32
        %dma_start3A_160 = tpu.memref_slice %arg2[%add3A_154, %dma_start3A_158, %dma_start3A_159] : memref<512x22x256xf32, #tpu.memory_space<hbm>> -> memref<1x22x256xf32, #tpu.memory_space<hbm>>
        %dma_start3A_161 = tpu.memref_squeeze %dma_start3A_160 : memref<1x22x256xf32, #tpu.memory_space<hbm>> -> memref<22x256xf32, #tpu.memory_space<hbm>>
        %dma_start3A_162 = arith.constant 0 : i32
        %dma_start3A_163 = arith.constant 0 : i32
        %dma_start3A_164 = tpu.memref_slice %dma_start3A_161[%dma_start3A_162, %dma_start3A_163] : memref<22x256xf32, #tpu.memory_space<hbm>> -> memref<22x256xf32, #tpu.memory_space<hbm>>
        tpu.enqueue_indirect_dma source(%dma_start3A_164 : memref<22x256xf32, #tpu.memory_space<hbm>>) target(%arg8 : memref<64x256xf32, #tpu.memory_space<vmem>>) offsets(%dma_start3A_157 : memref<64xi32, #tpu.memory_space<vmem>>) semaphore(%arg14 : memref<!tpu.dma_semaphore, #tpu.memory_space<semaphore_mem>>)
        %add3A_165 = arith.constant 2 : i32
        %add3A_166 = arith.addi %add3A_67, %add3A_165 : i32
        %mul3A_167 = arith.constant 64 : i32
        %mul3A_168 = arith.muli %add3A_166, %mul3A_167 : i32
        %add3A_169 = arith.addi %add3A_41, %mul3A_168 : i32
        %gt3A_170 = arith.constant 0 : i32
        %gt3A_171 = arith.cmpi sgt, %add3A_29, %gt3A_170 : i32
        %ge3A_172 = arith.constant 4 : i32
        %ge3A_173 = arith.cmpi sge, %add3A_67, %ge3A_172 : i32
        %or3A_174 = arith.ori %gt3A_171, %ge3A_173 : i1
        %convert_element_type3A_175 = arith.extui %or3A_174 : i1 to i32
        %cond3A_176 = arith.constant 0 : i32
        %cond3A_177 = arith.cmpi ne, %convert_element_type3A_175, %cond3A_176 : i32
        scf.if %cond3A_177 {
          %dma_wait3A_341 = arith.constant 0 : i32
          %dma_wait3A_342 = tpu.memref_slice %arg4[%add3A_169, %dma_wait3A_341] : memref<3276800x256xf32, #tpu.memory_space<hbm>> -> memref<64x256xf32, #tpu.memory_space<hbm>>
          %dma_wait3A_343 = arith.constant 0 : i32
          %dma_wait3A_344 = tpu.memref_slice %arg4[%add3A_169, %dma_wait3A_343] : memref<3276800x256xf32, #tpu.memory_space<hbm>> -> memref<64x256xf32, #tpu.memory_space<hbm>>
          tpu.wait_dma2 semaphore(%arg19 : memref<!tpu.dma_semaphore, #tpu.memory_space<semaphore_mem>>) src(%arg9 : memref<64x256xf32, #tpu.memory_space<vmem>>) dst(%dma_wait3A_344 : memref<64x256xf32, #tpu.memory_space<hbm>>)
        } else {
        }
        %mul3A_178 = arith.constant 16 : i32
        %mul3A_179 = arith.muli %add3A, %mul3A_178 : i32
        %add3A_180 = arith.constant 8 : i32
        %add3A_181 = arith.addi %mul3A_179, %add3A_180 : i32
        %jit3A_182 = arith.constant 4 : i32
        %div3A_183 = arith.divsi %add3A_67, %jit3A_182 : i32
        %sign3A_184 = arith.constant 0 : i32
        %sign3A_185 = arith.cmpi sgt, %add3A_67, %sign3A_184 : i32
        %sign3A_186 = arith.extui %sign3A_185 : i1 to i32
        %sign3A_187 = arith.constant 0 : i32
        %sign3A_188 = arith.cmpi slt, %add3A_67, %sign3A_187 : i32
        %sign3A_189 = arith.extui %sign3A_188 : i1 to i32
        %sign3A_190 = arith.subi %sign3A_186, %sign3A_189 : i32
        %sign3A_191 = arith.constant 0 : i32
        %sign3A_192 = arith.cmpi sgt, %jit3A_182, %sign3A_191 : i32
        %sign3A_193 = arith.extui %sign3A_192 : i1 to i32
        %sign3A_194 = arith.constant 0 : i32
        %sign3A_195 = arith.cmpi slt, %jit3A_182, %sign3A_194 : i32
        %sign3A_196 = arith.extui %sign3A_195 : i1 to i32
        %sign3A_197 = arith.subi %sign3A_193, %sign3A_196 : i32
        %ne3A_198 = arith.cmpi ne, %sign3A_190, %sign3A_197 : i32
        %rem3A_199 = arith.remsi %add3A_67, %jit3A_182 : i32
        %ne3A_200 = arith.constant 0 : i32
        %ne3A_201 = arith.cmpi ne, %rem3A_199, %ne3A_200 : i32
        %and3A_202 = arith.andi %ne3A_198, %ne3A_201 : i1
        %sub3A_203 = arith.constant 1 : i32
        %sub3A_204 = arith.subi %div3A_183, %sub3A_203 : i32
        %select_n3A_205 = arith.select %and3A_202, %sub3A_204, %div3A_183 : i32
        %and3A_206 = arith.constant 3 : i32
        %and3A_207 = arith.andi %select_n3A_205, %and3A_206 : i32
        %add3A_208 = arith.addi %add3A_181, %and3A_207 : i32
        %mul3A_209 = arith.constant 64 : i32
        %mul3A_210 = arith.muli %add3A_166, %mul3A_209 : i32
        %dma_start3A_211 = tpu.memref_slice %arg5[%mul3A_210] : memref<2048xi32, #tpu.memory_space<vmem>> -> memref<64xi32, #tpu.memory_space<vmem>>
        %dma_start3A_212 = arith.constant 0 : i32
        %dma_start3A_213 = arith.constant 0 : i32
        %dma_start3A_214 = tpu.memref_slice %arg2[%add3A_208, %dma_start3A_212, %dma_start3A_213] : memref<512x22x256xf32, #tpu.memory_space<hbm>> -> memref<1x22x256xf32, #tpu.memory_space<hbm>>
        %dma_start3A_215 = tpu.memref_squeeze %dma_start3A_214 : memref<1x22x256xf32, #tpu.memory_space<hbm>> -> memref<22x256xf32, #tpu.memory_space<hbm>>
        %dma_start3A_216 = arith.constant 0 : i32
        %dma_start3A_217 = arith.constant 0 : i32
        %dma_start3A_218 = tpu.memref_slice %dma_start3A_215[%dma_start3A_216, %dma_start3A_217] : memref<22x256xf32, #tpu.memory_space<hbm>> -> memref<22x256xf32, #tpu.memory_space<hbm>>
        tpu.enqueue_indirect_dma source(%dma_start3A_218 : memref<22x256xf32, #tpu.memory_space<hbm>>) target(%arg9 : memref<64x256xf32, #tpu.memory_space<vmem>>) offsets(%dma_start3A_211 : memref<64xi32, #tpu.memory_space<vmem>>) semaphore(%arg15 : memref<!tpu.dma_semaphore, #tpu.memory_space<semaphore_mem>>)
        %add3A_219 = arith.constant 3 : i32
        %add3A_220 = arith.addi %add3A_67, %add3A_219 : i32
        %mul3A_221 = arith.constant 64 : i32
        %mul3A_222 = arith.muli %add3A_220, %mul3A_221 : i32
        %add3A_223 = arith.addi %add3A_41, %mul3A_222 : i32
        %gt3A_224 = arith.constant 0 : i32
        %gt3A_225 = arith.cmpi sgt, %add3A_29, %gt3A_224 : i32
        %ge3A_226 = arith.constant 4 : i32
        %ge3A_227 = arith.cmpi sge, %add3A_67, %ge3A_226 : i32
        %or3A_228 = arith.ori %gt3A_225, %ge3A_227 : i1
        %convert_element_type3A_229 = arith.extui %or3A_228 : i1 to i32
        %cond3A_230 = arith.constant 0 : i32
        %cond3A_231 = arith.cmpi ne, %convert_element_type3A_229, %cond3A_230 : i32
        scf.if %cond3A_231 {
          %dma_wait3A_341 = arith.constant 0 : i32
          %dma_wait3A_342 = tpu.memref_slice %arg4[%add3A_223, %dma_wait3A_341] : memref<3276800x256xf32, #tpu.memory_space<hbm>> -> memref<64x256xf32, #tpu.memory_space<hbm>>
          %dma_wait3A_343 = arith.constant 0 : i32
          %dma_wait3A_344 = tpu.memref_slice %arg4[%add3A_223, %dma_wait3A_343] : memref<3276800x256xf32, #tpu.memory_space<hbm>> -> memref<64x256xf32, #tpu.memory_space<hbm>>
          tpu.wait_dma2 semaphore(%arg20 : memref<!tpu.dma_semaphore, #tpu.memory_space<semaphore_mem>>) src(%arg10 : memref<64x256xf32, #tpu.memory_space<vmem>>) dst(%dma_wait3A_344 : memref<64x256xf32, #tpu.memory_space<hbm>>)
        } else {
        }
        %mul3A_232 = arith.constant 16 : i32
        %mul3A_233 = arith.muli %add3A, %mul3A_232 : i32
        %add3A_234 = arith.constant 12 : i32
        %add3A_235 = arith.addi %mul3A_233, %add3A_234 : i32
        %jit3A_236 = arith.constant 4 : i32
        %div3A_237 = arith.divsi %add3A_67, %jit3A_236 : i32
        %sign3A_238 = arith.constant 0 : i32
        %sign3A_239 = arith.cmpi sgt, %add3A_67, %sign3A_238 : i32
        %sign3A_240 = arith.extui %sign3A_239 : i1 to i32
        %sign3A_241 = arith.constant 0 : i32
        %sign3A_242 = arith.cmpi slt, %add3A_67, %sign3A_241 : i32
        %sign3A_243 = arith.extui %sign3A_242 : i1 to i32
        %sign3A_244 = arith.subi %sign3A_240, %sign3A_243 : i32
        %sign3A_245 = arith.constant 0 : i32
        %sign3A_246 = arith.cmpi sgt, %jit3A_236, %sign3A_245 : i32
        %sign3A_247 = arith.extui %sign3A_246 : i1 to i32
        %sign3A_248 = arith.constant 0 : i32
        %sign3A_249 = arith.cmpi slt, %jit3A_236, %sign3A_248 : i32
        %sign3A_250 = arith.extui %sign3A_249 : i1 to i32
        %sign3A_251 = arith.subi %sign3A_247, %sign3A_250 : i32
        %ne3A_252 = arith.cmpi ne, %sign3A_244, %sign3A_251 : i32
        %rem3A_253 = arith.remsi %add3A_67, %jit3A_236 : i32
        %ne3A_254 = arith.constant 0 : i32
        %ne3A_255 = arith.cmpi ne, %rem3A_253, %ne3A_254 : i32
        %and3A_256 = arith.andi %ne3A_252, %ne3A_255 : i1
        %sub3A_257 = arith.constant 1 : i32
        %sub3A_258 = arith.subi %div3A_237, %sub3A_257 : i32
        %select_n3A_259 = arith.select %and3A_256, %sub3A_258, %div3A_237 : i32
        %and3A_260 = arith.constant 3 : i32
        %and3A_261 = arith.andi %select_n3A_259, %and3A_260 : i32
        %add3A_262 = arith.addi %add3A_235, %and3A_261 : i32
        %mul3A_263 = arith.constant 64 : i32
        %mul3A_264 = arith.muli %add3A_220, %mul3A_263 : i32
        %dma_start3A_265 = tpu.memref_slice %arg5[%mul3A_264] : memref<2048xi32, #tpu.memory_space<vmem>> -> memref<64xi32, #tpu.memory_space<vmem>>
        %dma_start3A_266 = arith.constant 0 : i32
        %dma_start3A_267 = arith.constant 0 : i32
        %dma_start3A_268 = tpu.memref_slice %arg2[%add3A_262, %dma_start3A_266, %dma_start3A_267] : memref<512x22x256xf32, #tpu.memory_space<hbm>> -> memref<1x22x256xf32, #tpu.memory_space<hbm>>
        %dma_start3A_269 = tpu.memref_squeeze %dma_start3A_268 : memref<1x22x256xf32, #tpu.memory_space<hbm>> -> memref<22x256xf32, #tpu.memory_space<hbm>>
        %dma_start3A_270 = arith.constant 0 : i32
        %dma_start3A_271 = arith.constant 0 : i32
        %dma_start3A_272 = tpu.memref_slice %dma_start3A_269[%dma_start3A_270, %dma_start3A_271] : memref<22x256xf32, #tpu.memory_space<hbm>> -> memref<22x256xf32, #tpu.memory_space<hbm>>
        tpu.enqueue_indirect_dma source(%dma_start3A_272 : memref<22x256xf32, #tpu.memory_space<hbm>>) target(%arg10 : memref<64x256xf32, #tpu.memory_space<vmem>>) offsets(%dma_start3A_265 : memref<64xi32, #tpu.memory_space<vmem>>) semaphore(%arg16 : memref<!tpu.dma_semaphore, #tpu.memory_space<semaphore_mem>>)
        %add3A_273 = arith.constant 0 : i32
        %add3A_274 = arith.addi %add3A_67, %add3A_273 : i32
        %mul3A_275 = arith.constant 64 : i32
        %mul3A_276 = arith.muli %add3A_274, %mul3A_275 : i32
        %add3A_277 = arith.addi %add3A_41, %mul3A_276 : i32
        %dma_wait3A_278 = tpu.memref_slice %arg5[%mul3A_102] : memref<2048xi32, #tpu.memory_space<vmem>> -> memref<64xi32, #tpu.memory_space<vmem>>
        %dma_wait3A_279 = arith.constant 0 : i32
        %dma_wait3A_280 = arith.constant 0 : i32
        %dma_wait3A_281 = tpu.memref_slice %arg2[%add3A_100, %dma_wait3A_279, %dma_wait3A_280] : memref<512x22x256xf32, #tpu.memory_space<hbm>> -> memref<1x22x256xf32, #tpu.memory_space<hbm>>
        %dma_wait3A_282 = tpu.memref_squeeze %dma_wait3A_281 : memref<1x22x256xf32, #tpu.memory_space<hbm>> -> memref<22x256xf32, #tpu.memory_space<hbm>>
        %dma_wait3A_283 = arith.constant 0 : i32
        %dma_wait3A_284 = arith.constant 0 : i32
        %dma_wait3A_285 = tpu.memref_slice %dma_wait3A_282[%dma_wait3A_283, %dma_wait3A_284] : memref<22x256xf32, #tpu.memory_space<hbm>> -> memref<22x256xf32, #tpu.memory_space<hbm>>
        tpu.wait_indirect_dma semaphore(%arg13 : memref<!tpu.dma_semaphore, #tpu.memory_space<semaphore_mem>>) src(%dma_wait3A_285 : memref<22x256xf32, #tpu.memory_space<hbm>>) dst(%arg7 : memref<64x256xf32, #tpu.memory_space<vmem>>)
        %dma_start3A_286 = arith.constant 0 : i32
        %dma_start3A_287 = tpu.memref_slice %arg4[%add3A_277, %dma_start3A_286] : memref<3276800x256xf32, #tpu.memory_space<hbm>> -> memref<64x256xf32, #tpu.memory_space<hbm>>
        %dma_start3A_288 = arith.constant 0 : i32
        %dma_start3A_289 = tpu.memref_slice %arg4[%add3A_277, %dma_start3A_288] : memref<3276800x256xf32, #tpu.memory_space<hbm>> -> memref<64x256xf32, #tpu.memory_space<hbm>>
        tpu.enqueue_dma source(%arg7 : memref<64x256xf32, #tpu.memory_space<vmem>>) target(%dma_start3A_289 : memref<64x256xf32, #tpu.memory_space<hbm>>) target_semaphore(%arg17 : memref<!tpu.dma_semaphore, #tpu.memory_space<semaphore_mem>>)
        %add3A_290 = arith.constant 1 : i32
        %add3A_291 = arith.addi %add3A_67, %add3A_290 : i32
        %mul3A_292 = arith.constant 64 : i32
        %mul3A_293 = arith.muli %add3A_291, %mul3A_292 : i32
        %add3A_294 = arith.addi %add3A_41, %mul3A_293 : i32
        %dma_wait3A_295 = tpu.memref_slice %arg5[%mul3A_156] : memref<2048xi32, #tpu.memory_space<vmem>> -> memref<64xi32, #tpu.memory_space<vmem>>
        %dma_wait3A_296 = arith.constant 0 : i32
        %dma_wait3A_297 = arith.constant 0 : i32
        %dma_wait3A_298 = tpu.memref_slice %arg2[%add3A_154, %dma_wait3A_296, %dma_wait3A_297] : memref<512x22x256xf32, #tpu.memory_space<hbm>> -> memref<1x22x256xf32, #tpu.memory_space<hbm>>
        %dma_wait3A_299 = tpu.memref_squeeze %dma_wait3A_298 : memref<1x22x256xf32, #tpu.memory_space<hbm>> -> memref<22x256xf32, #tpu.memory_space<hbm>>
        %dma_wait3A_300 = arith.constant 0 : i32
        %dma_wait3A_301 = arith.constant 0 : i32
        %dma_wait3A_302 = tpu.memref_slice %dma_wait3A_299[%dma_wait3A_300, %dma_wait3A_301] : memref<22x256xf32, #tpu.memory_space<hbm>> -> memref<22x256xf32, #tpu.memory_space<hbm>>
        tpu.wait_indirect_dma semaphore(%arg14 : memref<!tpu.dma_semaphore, #tpu.memory_space<semaphore_mem>>) src(%dma_wait3A_302 : memref<22x256xf32, #tpu.memory_space<hbm>>) dst(%arg8 : memref<64x256xf32, #tpu.memory_space<vmem>>)
        %dma_start3A_303 = arith.constant 0 : i32
        %dma_start3A_304 = tpu.memref_slice %arg4[%add3A_294, %dma_start3A_303] : memref<3276800x256xf32, #tpu.memory_space<hbm>> -> memref<64x256xf32, #tpu.memory_space<hbm>>
        %dma_start3A_305 = arith.constant 0 : i32
        %dma_start3A_306 = tpu.memref_slice %arg4[%add3A_294, %dma_start3A_305] : memref<3276800x256xf32, #tpu.memory_space<hbm>> -> memref<64x256xf32, #tpu.memory_space<hbm>>
        tpu.enqueue_dma source(%arg8 : memref<64x256xf32, #tpu.memory_space<vmem>>) target(%dma_start3A_306 : memref<64x256xf32, #tpu.memory_space<hbm>>) target_semaphore(%arg18 : memref<!tpu.dma_semaphore, #tpu.memory_space<semaphore_mem>>)
        %add3A_307 = arith.constant 2 : i32
        %add3A_308 = arith.addi %add3A_67, %add3A_307 : i32
        %mul3A_309 = arith.constant 64 : i32
        %mul3A_310 = arith.muli %add3A_308, %mul3A_309 : i32
        %add3A_311 = arith.addi %add3A_41, %mul3A_310 : i32
        %dma_wait3A_312 = tpu.memref_slice %arg5[%mul3A_210] : memref<2048xi32, #tpu.memory_space<vmem>> -> memref<64xi32, #tpu.memory_space<vmem>>
        %dma_wait3A_313 = arith.constant 0 : i32
        %dma_wait3A_314 = arith.constant 0 : i32
        %dma_wait3A_315 = tpu.memref_slice %arg2[%add3A_208, %dma_wait3A_313, %dma_wait3A_314] : memref<512x22x256xf32, #tpu.memory_space<hbm>> -> memref<1x22x256xf32, #tpu.memory_space<hbm>>
        %dma_wait3A_316 = tpu.memref_squeeze %dma_wait3A_315 : memref<1x22x256xf32, #tpu.memory_space<hbm>> -> memref<22x256xf32, #tpu.memory_space<hbm>>
        %dma_wait3A_317 = arith.constant 0 : i32
        %dma_wait3A_318 = arith.constant 0 : i32
        %dma_wait3A_319 = tpu.memref_slice %dma_wait3A_316[%dma_wait3A_317, %dma_wait3A_318] : memref<22x256xf32, #tpu.memory_space<hbm>> -> memref<22x256xf32, #tpu.memory_space<hbm>>
        tpu.wait_indirect_dma semaphore(%arg15 : memref<!tpu.dma_semaphore, #tpu.memory_space<semaphore_mem>>) src(%dma_wait3A_319 : memref<22x256xf32, #tpu.memory_space<hbm>>) dst(%arg9 : memref<64x256xf32, #tpu.memory_space<vmem>>)
        %dma_start3A_320 = arith.constant 0 : i32
        %dma_start3A_321 = tpu.memref_slice %arg4[%add3A_311, %dma_start3A_320] : memref<3276800x256xf32, #tpu.memory_space<hbm>> -> memref<64x256xf32, #tpu.memory_space<hbm>>
        %dma_start3A_322 = arith.constant 0 : i32
        %dma_start3A_323 = tpu.memref_slice %arg4[%add3A_311, %dma_start3A_322] : memref<3276800x256xf32, #tpu.memory_space<hbm>> -> memref<64x256xf32, #tpu.memory_space<hbm>>
        tpu.enqueue_dma source(%arg9 : memref<64x256xf32, #tpu.memory_space<vmem>>) target(%dma_start3A_323 : memref<64x256xf32, #tpu.memory_space<hbm>>) target_semaphore(%arg19 : memref<!tpu.dma_semaphore, #tpu.memory_space<semaphore_mem>>)
        %add3A_324 = arith.constant 3 : i32
        %add3A_325 = arith.addi %add3A_67, %add3A_324 : i32
        %mul3A_326 = arith.constant 64 : i32
        %mul3A_327 = arith.muli %add3A_325, %mul3A_326 : i32
        %add3A_328 = arith.addi %add3A_41, %mul3A_327 : i32
        %dma_wait3A_329 = tpu.memref_slice %arg5[%mul3A_264] : memref<2048xi32, #tpu.memory_space<vmem>> -> memref<64xi32, #tpu.memory_space<vmem>>
        %dma_wait3A_330 = arith.constant 0 : i32
        %dma_wait3A_331 = arith.constant 0 : i32
        %dma_wait3A_332 = tpu.memref_slice %arg2[%add3A_262, %dma_wait3A_330, %dma_wait3A_331] : memref<512x22x256xf32, #tpu.memory_space<hbm>> -> memref<1x22x256xf32, #tpu.memory_space<hbm>>
        %dma_wait3A_333 = tpu.memref_squeeze %dma_wait3A_332 : memref<1x22x256xf32, #tpu.memory_space<hbm>> -> memref<22x256xf32, #tpu.memory_space<hbm>>
        %dma_wait3A_334 = arith.constant 0 : i32
        %dma_wait3A_335 = arith.constant 0 : i32
        %dma_wait3A_336 = tpu.memref_slice %dma_wait3A_333[%dma_wait3A_334, %dma_wait3A_335] : memref<22x256xf32, #tpu.memory_space<hbm>> -> memref<22x256xf32, #tpu.memory_space<hbm>>
        tpu.wait_indirect_dma semaphore(%arg16 : memref<!tpu.dma_semaphore, #tpu.memory_space<semaphore_mem>>) src(%dma_wait3A_336 : memref<22x256xf32, #tpu.memory_space<hbm>>) dst(%arg10 : memref<64x256xf32, #tpu.memory_space<vmem>>)
        %dma_start3A_337 = arith.constant 0 : i32
        %dma_start3A_338 = tpu.memref_slice %arg4[%add3A_328, %dma_start3A_337] : memref<3276800x256xf32, #tpu.memory_space<hbm>> -> memref<64x256xf32, #tpu.memory_space<hbm>>
        %dma_start3A_339 = arith.constant 0 : i32
        %dma_start3A_340 = tpu.memref_slice %arg4[%add3A_328, %dma_start3A_339] : memref<3276800x256xf32, #tpu.memory_space<hbm>> -> memref<64x256xf32, #tpu.memory_space<hbm>>
        tpu.enqueue_dma source(%arg10 : memref<64x256xf32, #tpu.memory_space<vmem>>) target(%dma_start3A_340 : memref<64x256xf32, #tpu.memory_space<hbm>>) target_semaphore(%arg20 : memref<!tpu.dma_semaphore, #tpu.memory_space<semaphore_mem>>)
      }
      %scan3A_46 = arith.constant 8 : i32
      %add3A_47 = arith.constant 2 : i32
      %add3A_48 = arith.addi %add3A_29, %add3A_47 : i32
      %lt3A = arith.constant 50 : i32
      %lt3A_49 = arith.cmpi slt, %add3A_48, %lt3A : i32
      %convert_element_type3A = arith.extui %lt3A_49 : i1 to i32
      %cond3A = arith.constant 0 : i32
      %cond3A_50 = arith.cmpi ne, %convert_element_type3A, %cond3A : i32
      scf.if %cond3A_50 {
        %add3A_63 = arith.constant 2 : i32
        %add3A_64 = arith.addi %add3A_29, %add3A_63 : i32
        %mul3A_65 = arith.constant 2048 : i32
        %mul3A_66 = arith.muli %add3A_64, %mul3A_65 : i32
        %add3A_67 = arith.addi %mul3A_2, %mul3A_66 : i32
        %dma_start3A_68 = tpu.memref_slice %arg3[%add3A_67] : memref<3276800xi32, #tpu.memory_space<hbm>> -> memref<2048xi32, #tpu.memory_space<hbm>>
        %dma_start3A_69 = tpu.memref_slice %arg3[%add3A_67] : memref<3276800xi32, #tpu.memory_space<hbm>> -> memref<2048xi32, #tpu.memory_space<hbm>>
        tpu.enqueue_dma source(%dma_start3A_69 : memref<2048xi32, #tpu.memory_space<hbm>>) target(%arg5 : memref<2048xi32, #tpu.memory_space<vmem>>) target_semaphore(%arg11 : memref<!tpu.dma_semaphore, #tpu.memory_space<semaphore_mem>>)
      } else {
      }
      %dma_wait3A_51 = tpu.memref_slice %arg3[%mul3A_2] : memref<3276800xi32, #tpu.memory_space<hbm>> -> memref<2048xi32, #tpu.memory_space<hbm>>
      %dma_wait3A_52 = tpu.memref_slice %arg3[%mul3A_2] : memref<3276800xi32, #tpu.memory_space<hbm>> -> memref<2048xi32, #tpu.memory_space<hbm>>
      tpu.wait_dma2 semaphore(%arg12 : memref<!tpu.dma_semaphore, #tpu.memory_space<semaphore_mem>>) src(%dma_wait3A_52 : memref<2048xi32, #tpu.memory_space<hbm>>) dst(%arg6 : memref<2048xi32, #tpu.memory_space<vmem>>)
      %add3A_53 = arith.constant 1 : i32
      %add3A_54 = arith.addi %add3A_29, %add3A_53 : i32
      %mul3A_55 = arith.constant 2048 : i32
      %mul3A_56 = arith.muli %add3A_54, %mul3A_55 : i32
      %add3A_57 = arith.addi %mul3A_2, %mul3A_56 : i32
      %scan3A_58 = arith.constant 0 : i32
      %scan3A_59 = arith.constant 8 : i32
      %scan3A_60 = arith.addi %scan3A_58, %scan3A_59 : i32
      %scan3A_61 = arith.constant 1 : i32
      scf.for %scan3A_63 = %scan3A_58 to %scan3A_60 step %scan3A_61  : i32 {
        %mul3A_64 = arith.constant 4 : i32
        %mul3A_65 = arith.muli %scan3A_63, %mul3A_64 : i32
        %add3A_66 = arith.constant 0 : i32
        %add3A_67 = arith.addi %add3A_66, %mul3A_65 : i32
        %add3A_68 = arith.constant 0 : i32
        %add3A_69 = arith.addi %add3A_67, %add3A_68 : i32
        %mul3A_70 = arith.constant 64 : i32
        %mul3A_71 = arith.muli %add3A_69, %mul3A_70 : i32
        %add3A_72 = arith.addi %add3A_57, %mul3A_71 : i32
        %gt3A = arith.constant 0 : i32
        %gt3A_73 = arith.cmpi sgt, %add3A_54, %gt3A : i32
        %ge3A = arith.constant 4 : i32
        %ge3A_74 = arith.cmpi sge, %add3A_67, %ge3A : i32
        %or3A = arith.ori %gt3A_73, %ge3A_74 : i1
        %convert_element_type3A_75 = arith.extui %or3A : i1 to i32
        %cond3A_76 = arith.constant 0 : i32
        %cond3A_77 = arith.cmpi ne, %convert_element_type3A_75, %cond3A_76 : i32
        scf.if %cond3A_77 {
          %dma_wait3A_341 = arith.constant 0 : i32
          %dma_wait3A_342 = tpu.memref_slice %arg4[%add3A_72, %dma_wait3A_341] : memref<3276800x256xf32, #tpu.memory_space<hbm>> -> memref<64x256xf32, #tpu.memory_space<hbm>>
          %dma_wait3A_343 = arith.constant 0 : i32
          %dma_wait3A_344 = tpu.memref_slice %arg4[%add3A_72, %dma_wait3A_343] : memref<3276800x256xf32, #tpu.memory_space<hbm>> -> memref<64x256xf32, #tpu.memory_space<hbm>>
          tpu.wait_dma2 semaphore(%arg17 : memref<!tpu.dma_semaphore, #tpu.memory_space<semaphore_mem>>) src(%arg7 : memref<64x256xf32, #tpu.memory_space<vmem>>) dst(%dma_wait3A_344 : memref<64x256xf32, #tpu.memory_space<hbm>>)
        } else {
        }
        %mul3A_78 = arith.constant 16 : i32
        %mul3A_79 = arith.muli %add3A, %mul3A_78 : i32
        %add3A_80 = arith.constant 0 : i32
        %add3A_81 = arith.addi %mul3A_79, %add3A_80 : i32
        %jit3A = arith.constant 4 : i32
        %div3A = arith.divsi %add3A_67, %jit3A : i32
        %sign3A = arith.constant 0 : i32
        %sign3A_82 = arith.cmpi sgt, %add3A_67, %sign3A : i32
        %sign3A_83 = arith.extui %sign3A_82 : i1 to i32
        %sign3A_84 = arith.constant 0 : i32
        %sign3A_85 = arith.cmpi slt, %add3A_67, %sign3A_84 : i32
        %sign3A_86 = arith.extui %sign3A_85 : i1 to i32
        %sign3A_87 = arith.subi %sign3A_83, %sign3A_86 : i32
        %sign3A_88 = arith.constant 0 : i32
        %sign3A_89 = arith.cmpi sgt, %jit3A, %sign3A_88 : i32
        %sign3A_90 = arith.extui %sign3A_89 : i1 to i32
        %sign3A_91 = arith.constant 0 : i32
        %sign3A_92 = arith.cmpi slt, %jit3A, %sign3A_91 : i32
        %sign3A_93 = arith.extui %sign3A_92 : i1 to i32
        %sign3A_94 = arith.subi %sign3A_90, %sign3A_93 : i32
        %ne3A = arith.cmpi ne, %sign3A_87, %sign3A_94 : i32
        %rem3A = arith.remsi %add3A_67, %jit3A : i32
        %ne3A_95 = arith.constant 0 : i32
        %ne3A_96 = arith.cmpi ne, %rem3A, %ne3A_95 : i32
        %and3A = arith.andi %ne3A, %ne3A_96 : i1
        %sub3A = arith.constant 1 : i32
        %sub3A_97 = arith.subi %div3A, %sub3A : i32
        %select_n3A = arith.select %and3A, %sub3A_97, %div3A : i32
        %and3A_98 = arith.constant 3 : i32
        %and3A_99 = arith.andi %select_n3A, %and3A_98 : i32
        %add3A_100 = arith.addi %add3A_81, %and3A_99 : i32
        %mul3A_101 = arith.constant 64 : i32
        %mul3A_102 = arith.muli %add3A_69, %mul3A_101 : i32
        %dma_start3A_103 = tpu.memref_slice %arg6[%mul3A_102] : memref<2048xi32, #tpu.memory_space<vmem>> -> memref<64xi32, #tpu.memory_space<vmem>>
        %dma_start3A_104 = arith.constant 0 : i32
        %dma_start3A_105 = arith.constant 0 : i32
        %dma_start3A_106 = tpu.memref_slice %arg2[%add3A_100, %dma_start3A_104, %dma_start3A_105] : memref<512x22x256xf32, #tpu.memory_space<hbm>> -> memref<1x22x256xf32, #tpu.memory_space<hbm>>
        %dma_start3A_107 = tpu.memref_squeeze %dma_start3A_106 : memref<1x22x256xf32, #tpu.memory_space<hbm>> -> memref<22x256xf32, #tpu.memory_space<hbm>>
        %dma_start3A_108 = arith.constant 0 : i32
        %dma_start3A_109 = arith.constant 0 : i32
        %dma_start3A_110 = tpu.memref_slice %dma_start3A_107[%dma_start3A_108, %dma_start3A_109] : memref<22x256xf32, #tpu.memory_space<hbm>> -> memref<22x256xf32, #tpu.memory_space<hbm>>
        tpu.enqueue_indirect_dma source(%dma_start3A_110 : memref<22x256xf32, #tpu.memory_space<hbm>>) target(%arg7 : memref<64x256xf32, #tpu.memory_space<vmem>>) offsets(%dma_start3A_103 : memref<64xi32, #tpu.memory_space<vmem>>) semaphore(%arg13 : memref<!tpu.dma_semaphore, #tpu.memory_space<semaphore_mem>>)
        %add3A_111 = arith.constant 1 : i32
        %add3A_112 = arith.addi %add3A_67, %add3A_111 : i32
        %mul3A_113 = arith.constant 64 : i32
        %mul3A_114 = arith.muli %add3A_112, %mul3A_113 : i32
        %add3A_115 = arith.addi %add3A_57, %mul3A_114 : i32
        %gt3A_116 = arith.constant 0 : i32
        %gt3A_117 = arith.cmpi sgt, %add3A_54, %gt3A_116 : i32
        %ge3A_118 = arith.constant 4 : i32
        %ge3A_119 = arith.cmpi sge, %add3A_67, %ge3A_118 : i32
        %or3A_120 = arith.ori %gt3A_117, %ge3A_119 : i1
        %convert_element_type3A_121 = arith.extui %or3A_120 : i1 to i32
        %cond3A_122 = arith.constant 0 : i32
        %cond3A_123 = arith.cmpi ne, %convert_element_type3A_121, %cond3A_122 : i32
        scf.if %cond3A_123 {
          %dma_wait3A_341 = arith.constant 0 : i32
          %dma_wait3A_342 = tpu.memref_slice %arg4[%add3A_115, %dma_wait3A_341] : memref<3276800x256xf32, #tpu.memory_space<hbm>> -> memref<64x256xf32, #tpu.memory_space<hbm>>
          %dma_wait3A_343 = arith.constant 0 : i32
          %dma_wait3A_344 = tpu.memref_slice %arg4[%add3A_115, %dma_wait3A_343] : memref<3276800x256xf32, #tpu.memory_space<hbm>> -> memref<64x256xf32, #tpu.memory_space<hbm>>
          tpu.wait_dma2 semaphore(%arg18 : memref<!tpu.dma_semaphore, #tpu.memory_space<semaphore_mem>>) src(%arg8 : memref<64x256xf32, #tpu.memory_space<vmem>>) dst(%dma_wait3A_344 : memref<64x256xf32, #tpu.memory_space<hbm>>)
        } else {
        }
        %mul3A_124 = arith.constant 16 : i32
        %mul3A_125 = arith.muli %add3A, %mul3A_124 : i32
        %add3A_126 = arith.constant 4 : i32
        %add3A_127 = arith.addi %mul3A_125, %add3A_126 : i32
        %jit3A_128 = arith.constant 4 : i32
        %div3A_129 = arith.divsi %add3A_67, %jit3A_128 : i32
        %sign3A_130 = arith.constant 0 : i32
        %sign3A_131 = arith.cmpi sgt, %add3A_67, %sign3A_130 : i32
        %sign3A_132 = arith.extui %sign3A_131 : i1 to i32
        %sign3A_133 = arith.constant 0 : i32
        %sign3A_134 = arith.cmpi slt, %add3A_67, %sign3A_133 : i32
        %sign3A_135 = arith.extui %sign3A_134 : i1 to i32
        %sign3A_136 = arith.subi %sign3A_132, %sign3A_135 : i32
        %sign3A_137 = arith.constant 0 : i32
        %sign3A_138 = arith.cmpi sgt, %jit3A_128, %sign3A_137 : i32
        %sign3A_139 = arith.extui %sign3A_138 : i1 to i32
        %sign3A_140 = arith.constant 0 : i32
        %sign3A_141 = arith.cmpi slt, %jit3A_128, %sign3A_140 : i32
        %sign3A_142 = arith.extui %sign3A_141 : i1 to i32
        %sign3A_143 = arith.subi %sign3A_139, %sign3A_142 : i32
        %ne3A_144 = arith.cmpi ne, %sign3A_136, %sign3A_143 : i32
        %rem3A_145 = arith.remsi %add3A_67, %jit3A_128 : i32
        %ne3A_146 = arith.constant 0 : i32
        %ne3A_147 = arith.cmpi ne, %rem3A_145, %ne3A_146 : i32
        %and3A_148 = arith.andi %ne3A_144, %ne3A_147 : i1
        %sub3A_149 = arith.constant 1 : i32
        %sub3A_150 = arith.subi %div3A_129, %sub3A_149 : i32
        %select_n3A_151 = arith.select %and3A_148, %sub3A_150, %div3A_129 : i32
        %and3A_152 = arith.constant 3 : i32
        %and3A_153 = arith.andi %select_n3A_151, %and3A_152 : i32
        %add3A_154 = arith.addi %add3A_127, %and3A_153 : i32
        %mul3A_155 = arith.constant 64 : i32
        %mul3A_156 = arith.muli %add3A_112, %mul3A_155 : i32
        %dma_start3A_157 = tpu.memref_slice %arg6[%mul3A_156] : memref<2048xi32, #tpu.memory_space<vmem>> -> memref<64xi32, #tpu.memory_space<vmem>>
        %dma_start3A_158 = arith.constant 0 : i32
        %dma_start3A_159 = arith.constant 0 : i32
        %dma_start3A_160 = tpu.memref_slice %arg2[%add3A_154, %dma_start3A_158, %dma_start3A_159] : memref<512x22x256xf32, #tpu.memory_space<hbm>> -> memref<1x22x256xf32, #tpu.memory_space<hbm>>
        %dma_start3A_161 = tpu.memref_squeeze %dma_start3A_160 : memref<1x22x256xf32, #tpu.memory_space<hbm>> -> memref<22x256xf32, #tpu.memory_space<hbm>>
        %dma_start3A_162 = arith.constant 0 : i32
        %dma_start3A_163 = arith.constant 0 : i32
        %dma_start3A_164 = tpu.memref_slice %dma_start3A_161[%dma_start3A_162, %dma_start3A_163] : memref<22x256xf32, #tpu.memory_space<hbm>> -> memref<22x256xf32, #tpu.memory_space<hbm>>
        tpu.enqueue_indirect_dma source(%dma_start3A_164 : memref<22x256xf32, #tpu.memory_space<hbm>>) target(%arg8 : memref<64x256xf32, #tpu.memory_space<vmem>>) offsets(%dma_start3A_157 : memref<64xi32, #tpu.memory_space<vmem>>) semaphore(%arg14 : memref<!tpu.dma_semaphore, #tpu.memory_space<semaphore_mem>>)
        %add3A_165 = arith.constant 2 : i32
        %add3A_166 = arith.addi %add3A_67, %add3A_165 : i32
        %mul3A_167 = arith.constant 64 : i32
        %mul3A_168 = arith.muli %add3A_166, %mul3A_167 : i32
        %add3A_169 = arith.addi %add3A_57, %mul3A_168 : i32
        %gt3A_170 = arith.constant 0 : i32
        %gt3A_171 = arith.cmpi sgt, %add3A_54, %gt3A_170 : i32
        %ge3A_172 = arith.constant 4 : i32
        %ge3A_173 = arith.cmpi sge, %add3A_67, %ge3A_172 : i32
        %or3A_174 = arith.ori %gt3A_171, %ge3A_173 : i1
        %convert_element_type3A_175 = arith.extui %or3A_174 : i1 to i32
        %cond3A_176 = arith.constant 0 : i32
        %cond3A_177 = arith.cmpi ne, %convert_element_type3A_175, %cond3A_176 : i32
        scf.if %cond3A_177 {
          %dma_wait3A_341 = arith.constant 0 : i32
          %dma_wait3A_342 = tpu.memref_slice %arg4[%add3A_169, %dma_wait3A_341] : memref<3276800x256xf32, #tpu.memory_space<hbm>> -> memref<64x256xf32, #tpu.memory_space<hbm>>
          %dma_wait3A_343 = arith.constant 0 : i32
          %dma_wait3A_344 = tpu.memref_slice %arg4[%add3A_169, %dma_wait3A_343] : memref<3276800x256xf32, #tpu.memory_space<hbm>> -> memref<64x256xf32, #tpu.memory_space<hbm>>
          tpu.wait_dma2 semaphore(%arg19 : memref<!tpu.dma_semaphore, #tpu.memory_space<semaphore_mem>>) src(%arg9 : memref<64x256xf32, #tpu.memory_space<vmem>>) dst(%dma_wait3A_344 : memref<64x256xf32, #tpu.memory_space<hbm>>)
        } else {
        }
        %mul3A_178 = arith.constant 16 : i32
        %mul3A_179 = arith.muli %add3A, %mul3A_178 : i32
        %add3A_180 = arith.constant 8 : i32
        %add3A_181 = arith.addi %mul3A_179, %add3A_180 : i32
        %jit3A_182 = arith.constant 4 : i32
        %div3A_183 = arith.divsi %add3A_67, %jit3A_182 : i32
        %sign3A_184 = arith.constant 0 : i32
        %sign3A_185 = arith.cmpi sgt, %add3A_67, %sign3A_184 : i32
        %sign3A_186 = arith.extui %sign3A_185 : i1 to i32
        %sign3A_187 = arith.constant 0 : i32
        %sign3A_188 = arith.cmpi slt, %add3A_67, %sign3A_187 : i32
        %sign3A_189 = arith.extui %sign3A_188 : i1 to i32
        %sign3A_190 = arith.subi %sign3A_186, %sign3A_189 : i32
        %sign3A_191 = arith.constant 0 : i32
        %sign3A_192 = arith.cmpi sgt, %jit3A_182, %sign3A_191 : i32
        %sign3A_193 = arith.extui %sign3A_192 : i1 to i32
        %sign3A_194 = arith.constant 0 : i32
        %sign3A_195 = arith.cmpi slt, %jit3A_182, %sign3A_194 : i32
        %sign3A_196 = arith.extui %sign3A_195 : i1 to i32
        %sign3A_197 = arith.subi %sign3A_193, %sign3A_196 : i32
        %ne3A_198 = arith.cmpi ne, %sign3A_190, %sign3A_197 : i32
        %rem3A_199 = arith.remsi %add3A_67, %jit3A_182 : i32
        %ne3A_200 = arith.constant 0 : i32
        %ne3A_201 = arith.cmpi ne, %rem3A_199, %ne3A_200 : i32
        %and3A_202 = arith.andi %ne3A_198, %ne3A_201 : i1
        %sub3A_203 = arith.constant 1 : i32
        %sub3A_204 = arith.subi %div3A_183, %sub3A_203 : i32
        %select_n3A_205 = arith.select %and3A_202, %sub3A_204, %div3A_183 : i32
        %and3A_206 = arith.constant 3 : i32
        %and3A_207 = arith.andi %select_n3A_205, %and3A_206 : i32
        %add3A_208 = arith.addi %add3A_181, %and3A_207 : i32
        %mul3A_209 = arith.constant 64 : i32
        %mul3A_210 = arith.muli %add3A_166, %mul3A_209 : i32
        %dma_start3A_211 = tpu.memref_slice %arg6[%mul3A_210] : memref<2048xi32, #tpu.memory_space<vmem>> -> memref<64xi32, #tpu.memory_space<vmem>>
        %dma_start3A_212 = arith.constant 0 : i32
        %dma_start3A_213 = arith.constant 0 : i32
        %dma_start3A_214 = tpu.memref_slice %arg2[%add3A_208, %dma_start3A_212, %dma_start3A_213] : memref<512x22x256xf32, #tpu.memory_space<hbm>> -> memref<1x22x256xf32, #tpu.memory_space<hbm>>
        %dma_start3A_215 = tpu.memref_squeeze %dma_start3A_214 : memref<1x22x256xf32, #tpu.memory_space<hbm>> -> memref<22x256xf32, #tpu.memory_space<hbm>>
        %dma_start3A_216 = arith.constant 0 : i32
        %dma_start3A_217 = arith.constant 0 : i32
        %dma_start3A_218 = tpu.memref_slice %dma_start3A_215[%dma_start3A_216, %dma_start3A_217] : memref<22x256xf32, #tpu.memory_space<hbm>> -> memref<22x256xf32, #tpu.memory_space<hbm>>
        tpu.enqueue_indirect_dma source(%dma_start3A_218 : memref<22x256xf32, #tpu.memory_space<hbm>>) target(%arg9 : memref<64x256xf32, #tpu.memory_space<vmem>>) offsets(%dma_start3A_211 : memref<64xi32, #tpu.memory_space<vmem>>) semaphore(%arg15 : memref<!tpu.dma_semaphore, #tpu.memory_space<semaphore_mem>>)
        %add3A_219 = arith.constant 3 : i32
        %add3A_220 = arith.addi %add3A_67, %add3A_219 : i32
        %mul3A_221 = arith.constant 64 : i32
        %mul3A_222 = arith.muli %add3A_220, %mul3A_221 : i32
        %add3A_223 = arith.addi %add3A_57, %mul3A_222 : i32
        %gt3A_224 = arith.constant 0 : i32
        %gt3A_225 = arith.cmpi sgt, %add3A_54, %gt3A_224 : i32
        %ge3A_226 = arith.constant 4 : i32
        %ge3A_227 = arith.cmpi sge, %add3A_67, %ge3A_226 : i32
        %or3A_228 = arith.ori %gt3A_225, %ge3A_227 : i1
        %convert_element_type3A_229 = arith.extui %or3A_228 : i1 to i32
        %cond3A_230 = arith.constant 0 : i32
        %cond3A_231 = arith.cmpi ne, %convert_element_type3A_229, %cond3A_230 : i32
        scf.if %cond3A_231 {
          %dma_wait3A_341 = arith.constant 0 : i32
          %dma_wait3A_342 = tpu.memref_slice %arg4[%add3A_223, %dma_wait3A_341] : memref<3276800x256xf32, #tpu.memory_space<hbm>> -> memref<64x256xf32, #tpu.memory_space<hbm>>
          %dma_wait3A_343 = arith.constant 0 : i32
          %dma_wait3A_344 = tpu.memref_slice %arg4[%add3A_223, %dma_wait3A_343] : memref<3276800x256xf32, #tpu.memory_space<hbm>> -> memref<64x256xf32, #tpu.memory_space<hbm>>
          tpu.wait_dma2 semaphore(%arg20 : memref<!tpu.dma_semaphore, #tpu.memory_space<semaphore_mem>>) src(%arg10 : memref<64x256xf32, #tpu.memory_space<vmem>>) dst(%dma_wait3A_344 : memref<64x256xf32, #tpu.memory_space<hbm>>)
        } else {
        }
        %mul3A_232 = arith.constant 16 : i32
        %mul3A_233 = arith.muli %add3A, %mul3A_232 : i32
        %add3A_234 = arith.constant 12 : i32
        %add3A_235 = arith.addi %mul3A_233, %add3A_234 : i32
        %jit3A_236 = arith.constant 4 : i32
        %div3A_237 = arith.divsi %add3A_67, %jit3A_236 : i32
        %sign3A_238 = arith.constant 0 : i32
        %sign3A_239 = arith.cmpi sgt, %add3A_67, %sign3A_238 : i32
        %sign3A_240 = arith.extui %sign3A_239 : i1 to i32
        %sign3A_241 = arith.constant 0 : i32
        %sign3A_242 = arith.cmpi slt, %add3A_67, %sign3A_241 : i32
        %sign3A_243 = arith.extui %sign3A_242 : i1 to i32
        %sign3A_244 = arith.subi %sign3A_240, %sign3A_243 : i32
        %sign3A_245 = arith.constant 0 : i32
        %sign3A_246 = arith.cmpi sgt, %jit3A_236, %sign3A_245 : i32
        %sign3A_247 = arith.extui %sign3A_246 : i1 to i32
        %sign3A_248 = arith.constant 0 : i32
        %sign3A_249 = arith.cmpi slt, %jit3A_236, %sign3A_248 : i32
        %sign3A_250 = arith.extui %sign3A_249 : i1 to i32
        %sign3A_251 = arith.subi %sign3A_247, %sign3A_250 : i32
        %ne3A_252 = arith.cmpi ne, %sign3A_244, %sign3A_251 : i32
        %rem3A_253 = arith.remsi %add3A_67, %jit3A_236 : i32
        %ne3A_254 = arith.constant 0 : i32
        %ne3A_255 = arith.cmpi ne, %rem3A_253, %ne3A_254 : i32
        %and3A_256 = arith.andi %ne3A_252, %ne3A_255 : i1
        %sub3A_257 = arith.constant 1 : i32
        %sub3A_258 = arith.subi %div3A_237, %sub3A_257 : i32
        %select_n3A_259 = arith.select %and3A_256, %sub3A_258, %div3A_237 : i32
        %and3A_260 = arith.constant 3 : i32
        %and3A_261 = arith.andi %select_n3A_259, %and3A_260 : i32
        %add3A_262 = arith.addi %add3A_235, %and3A_261 : i32
        %mul3A_263 = arith.constant 64 : i32
        %mul3A_264 = arith.muli %add3A_220, %mul3A_263 : i32
        %dma_start3A_265 = tpu.memref_slice %arg6[%mul3A_264] : memref<2048xi32, #tpu.memory_space<vmem>> -> memref<64xi32, #tpu.memory_space<vmem>>
        %dma_start3A_266 = arith.constant 0 : i32
        %dma_start3A_267 = arith.constant 0 : i32
        %dma_start3A_268 = tpu.memref_slice %arg2[%add3A_262, %dma_start3A_266, %dma_start3A_267] : memref<512x22x256xf32, #tpu.memory_space<hbm>> -> memref<1x22x256xf32, #tpu.memory_space<hbm>>
        %dma_start3A_269 = tpu.memref_squeeze %dma_start3A_268 : memref<1x22x256xf32, #tpu.memory_space<hbm>> -> memref<22x256xf32, #tpu.memory_space<hbm>>
        %dma_start3A_270 = arith.constant 0 : i32
        %dma_start3A_271 = arith.constant 0 : i32
        %dma_start3A_272 = tpu.memref_slice %dma_start3A_269[%dma_start3A_270, %dma_start3A_271] : memref<22x256xf32, #tpu.memory_space<hbm>> -> memref<22x256xf32, #tpu.memory_space<hbm>>
        tpu.enqueue_indirect_dma source(%dma_start3A_272 : memref<22x256xf32, #tpu.memory_space<hbm>>) target(%arg10 : memref<64x256xf32, #tpu.memory_space<vmem>>) offsets(%dma_start3A_265 : memref<64xi32, #tpu.memory_space<vmem>>) semaphore(%arg16 : memref<!tpu.dma_semaphore, #tpu.memory_space<semaphore_mem>>)
        %add3A_273 = arith.constant 0 : i32
        %add3A_274 = arith.addi %add3A_67, %add3A_273 : i32
        %mul3A_275 = arith.constant 64 : i32
        %mul3A_276 = arith.muli %add3A_274, %mul3A_275 : i32
        %add3A_277 = arith.addi %add3A_57, %mul3A_276 : i32
        %dma_wait3A_278 = tpu.memref_slice %arg6[%mul3A_102] : memref<2048xi32, #tpu.memory_space<vmem>> -> memref<64xi32, #tpu.memory_space<vmem>>
        %dma_wait3A_279 = arith.constant 0 : i32
        %dma_wait3A_280 = arith.constant 0 : i32
        %dma_wait3A_281 = tpu.memref_slice %arg2[%add3A_100, %dma_wait3A_279, %dma_wait3A_280] : memref<512x22x256xf32, #tpu.memory_space<hbm>> -> memref<1x22x256xf32, #tpu.memory_space<hbm>>
        %dma_wait3A_282 = tpu.memref_squeeze %dma_wait3A_281 : memref<1x22x256xf32, #tpu.memory_space<hbm>> -> memref<22x256xf32, #tpu.memory_space<hbm>>
        %dma_wait3A_283 = arith.constant 0 : i32
        %dma_wait3A_284 = arith.constant 0 : i32
        %dma_wait3A_285 = tpu.memref_slice %dma_wait3A_282[%dma_wait3A_283, %dma_wait3A_284] : memref<22x256xf32, #tpu.memory_space<hbm>> -> memref<22x256xf32, #tpu.memory_space<hbm>>
        tpu.wait_indirect_dma semaphore(%arg13 : memref<!tpu.dma_semaphore, #tpu.memory_space<semaphore_mem>>) src(%dma_wait3A_285 : memref<22x256xf32, #tpu.memory_space<hbm>>) dst(%arg7 : memref<64x256xf32, #tpu.memory_space<vmem>>)
        %dma_start3A_286 = arith.constant 0 : i32
        %dma_start3A_287 = tpu.memref_slice %arg4[%add3A_277, %dma_start3A_286] : memref<3276800x256xf32, #tpu.memory_space<hbm>> -> memref<64x256xf32, #tpu.memory_space<hbm>>
        %dma_start3A_288 = arith.constant 0 : i32
        %dma_start3A_289 = tpu.memref_slice %arg4[%add3A_277, %dma_start3A_288] : memref<3276800x256xf32, #tpu.memory_space<hbm>> -> memref<64x256xf32, #tpu.memory_space<hbm>>
        tpu.enqueue_dma source(%arg7 : memref<64x256xf32, #tpu.memory_space<vmem>>) target(%dma_start3A_289 : memref<64x256xf32, #tpu.memory_space<hbm>>) target_semaphore(%arg17 : memref<!tpu.dma_semaphore, #tpu.memory_space<semaphore_mem>>)
        %add3A_290 = arith.constant 1 : i32
        %add3A_291 = arith.addi %add3A_67, %add3A_290 : i32
        %mul3A_292 = arith.constant 64 : i32
        %mul3A_293 = arith.muli %add3A_291, %mul3A_292 : i32
        %add3A_294 = arith.addi %add3A_57, %mul3A_293 : i32
        %dma_wait3A_295 = tpu.memref_slice %arg6[%mul3A_156] : memref<2048xi32, #tpu.memory_space<vmem>> -> memref<64xi32, #tpu.memory_space<vmem>>
        %dma_wait3A_296 = arith.constant 0 : i32
        %dma_wait3A_297 = arith.constant 0 : i32
        %dma_wait3A_298 = tpu.memref_slice %arg2[%add3A_154, %dma_wait3A_296, %dma_wait3A_297] : memref<512x22x256xf32, #tpu.memory_space<hbm>> -> memref<1x22x256xf32, #tpu.memory_space<hbm>>
        %dma_wait3A_299 = tpu.memref_squeeze %dma_wait3A_298 : memref<1x22x256xf32, #tpu.memory_space<hbm>> -> memref<22x256xf32, #tpu.memory_space<hbm>>
        %dma_wait3A_300 = arith.constant 0 : i32
        %dma_wait3A_301 = arith.constant 0 : i32
        %dma_wait3A_302 = tpu.memref_slice %dma_wait3A_299[%dma_wait3A_300, %dma_wait3A_301] : memref<22x256xf32, #tpu.memory_space<hbm>> -> memref<22x256xf32, #tpu.memory_space<hbm>>
        tpu.wait_indirect_dma semaphore(%arg14 : memref<!tpu.dma_semaphore, #tpu.memory_space<semaphore_mem>>) src(%dma_wait3A_302 : memref<22x256xf32, #tpu.memory_space<hbm>>) dst(%arg8 : memref<64x256xf32, #tpu.memory_space<vmem>>)
        %dma_start3A_303 = arith.constant 0 : i32
        %dma_start3A_304 = tpu.memref_slice %arg4[%add3A_294, %dma_start3A_303] : memref<3276800x256xf32, #tpu.memory_space<hbm>> -> memref<64x256xf32, #tpu.memory_space<hbm>>
        %dma_start3A_305 = arith.constant 0 : i32
        %dma_start3A_306 = tpu.memref_slice %arg4[%add3A_294, %dma_start3A_305] : memref<3276800x256xf32, #tpu.memory_space<hbm>> -> memref<64x256xf32, #tpu.memory_space<hbm>>
        tpu.enqueue_dma source(%arg8 : memref<64x256xf32, #tpu.memory_space<vmem>>) target(%dma_start3A_306 : memref<64x256xf32, #tpu.memory_space<hbm>>) target_semaphore(%arg18 : memref<!tpu.dma_semaphore, #tpu.memory_space<semaphore_mem>>)
        %add3A_307 = arith.constant 2 : i32
        %add3A_308 = arith.addi %add3A_67, %add3A_307 : i32
        %mul3A_309 = arith.constant 64 : i32
        %mul3A_310 = arith.muli %add3A_308, %mul3A_309 : i32
        %add3A_311 = arith.addi %add3A_57, %mul3A_310 : i32
        %dma_wait3A_312 = tpu.memref_slice %arg6[%mul3A_210] : memref<2048xi32, #tpu.memory_space<vmem>> -> memref<64xi32, #tpu.memory_space<vmem>>
        %dma_wait3A_313 = arith.constant 0 : i32
        %dma_wait3A_314 = arith.constant 0 : i32
        %dma_wait3A_315 = tpu.memref_slice %arg2[%add3A_208, %dma_wait3A_313, %dma_wait3A_314] : memref<512x22x256xf32, #tpu.memory_space<hbm>> -> memref<1x22x256xf32, #tpu.memory_space<hbm>>
        %dma_wait3A_316 = tpu.memref_squeeze %dma_wait3A_315 : memref<1x22x256xf32, #tpu.memory_space<hbm>> -> memref<22x256xf32, #tpu.memory_space<hbm>>
        %dma_wait3A_317 = arith.constant 0 : i32
        %dma_wait3A_318 = arith.constant 0 : i32
        %dma_wait3A_319 = tpu.memref_slice %dma_wait3A_316[%dma_wait3A_317, %dma_wait3A_318] : memref<22x256xf32, #tpu.memory_space<hbm>> -> memref<22x256xf32, #tpu.memory_space<hbm>>
        tpu.wait_indirect_dma semaphore(%arg15 : memref<!tpu.dma_semaphore, #tpu.memory_space<semaphore_mem>>) src(%dma_wait3A_319 : memref<22x256xf32, #tpu.memory_space<hbm>>) dst(%arg9 : memref<64x256xf32, #tpu.memory_space<vmem>>)
        %dma_start3A_320 = arith.constant 0 : i32
        %dma_start3A_321 = tpu.memref_slice %arg4[%add3A_311, %dma_start3A_320] : memref<3276800x256xf32, #tpu.memory_space<hbm>> -> memref<64x256xf32, #tpu.memory_space<hbm>>
        %dma_start3A_322 = arith.constant 0 : i32
        %dma_start3A_323 = tpu.memref_slice %arg4[%add3A_311, %dma_start3A_322] : memref<3276800x256xf32, #tpu.memory_space<hbm>> -> memref<64x256xf32, #tpu.memory_space<hbm>>
        tpu.enqueue_dma source(%arg9 : memref<64x256xf32, #tpu.memory_space<vmem>>) target(%dma_start3A_323 : memref<64x256xf32, #tpu.memory_space<hbm>>) target_semaphore(%arg19 : memref<!tpu.dma_semaphore, #tpu.memory_space<semaphore_mem>>)
        %add3A_324 = arith.constant 3 : i32
        %add3A_325 = arith.addi %add3A_67, %add3A_324 : i32
        %mul3A_326 = arith.constant 64 : i32
        %mul3A_327 = arith.muli %add3A_325, %mul3A_326 : i32
        %add3A_328 = arith.addi %add3A_57, %mul3A_327 : i32
        %dma_wait3A_329 = tpu.memref_slice %arg6[%mul3A_264] : memref<2048xi32, #tpu.memory_space<vmem>> -> memref<64xi32, #tpu.memory_space<vmem>>
        %dma_wait3A_330 = arith.constant 0 : i32
        %dma_wait3A_331 = arith.constant 0 : i32
        %dma_wait3A_332 = tpu.memref_slice %arg2[%add3A_262, %dma_wait3A_330, %dma_wait3A_331] : memref<512x22x256xf32, #tpu.memory_space<hbm>> -> memref<1x22x256xf32, #tpu.memory_space<hbm>>
        %dma_wait3A_333 = tpu.memref_squeeze %dma_wait3A_332 : memref<1x22x256xf32, #tpu.memory_space<hbm>> -> memref<22x256xf32, #tpu.memory_space<hbm>>
        %dma_wait3A_334 = arith.constant 0 : i32
        %dma_wait3A_335 = arith.constant 0 : i32
        %dma_wait3A_336 = tpu.memref_slice %dma_wait3A_333[%dma_wait3A_334, %dma_wait3A_335] : memref<22x256xf32, #tpu.memory_space<hbm>> -> memref<22x256xf32, #tpu.memory_space<hbm>>
        tpu.wait_indirect_dma semaphore(%arg16 : memref<!tpu.dma_semaphore, #tpu.memory_space<semaphore_mem>>) src(%dma_wait3A_336 : memref<22x256xf32, #tpu.memory_space<hbm>>) dst(%arg10 : memref<64x256xf32, #tpu.memory_space<vmem>>)
        %dma_start3A_337 = arith.constant 0 : i32
        %dma_start3A_338 = tpu.memref_slice %arg4[%add3A_328, %dma_start3A_337] : memref<3276800x256xf32, #tpu.memory_space<hbm>> -> memref<64x256xf32, #tpu.memory_space<hbm>>
        %dma_start3A_339 = arith.constant 0 : i32
        %dma_start3A_340 = tpu.memref_slice %arg4[%add3A_328, %dma_start3A_339] : memref<3276800x256xf32, #tpu.memory_space<hbm>> -> memref<64x256xf32, #tpu.memory_space<hbm>>
        tpu.enqueue_dma source(%arg10 : memref<64x256xf32, #tpu.memory_space<vmem>>) target(%dma_start3A_340 : memref<64x256xf32, #tpu.memory_space<hbm>>) target_semaphore(%arg20 : memref<!tpu.dma_semaphore, #tpu.memory_space<semaphore_mem>>)
      }
      %scan3A_62 = arith.constant 8 : i32
    }
    %scan3A_9 = arith.constant 25 : i32
    %dma_wait3A = arith.constant 0 : i32
    %dma_wait3A_10 = tpu.memref_slice %arg4[%mul3A_2, %dma_wait3A] : memref<3276800x256xf32, #tpu.memory_space<hbm>> -> memref<64x256xf32, #tpu.memory_space<hbm>>
    %dma_wait3A_11 = arith.constant 0 : i32
    %dma_wait3A_12 = tpu.memref_slice %arg4[%mul3A_2, %dma_wait3A_11] : memref<3276800x256xf32, #tpu.memory_space<hbm>> -> memref<64x256xf32, #tpu.memory_space<hbm>>
    tpu.wait_dma2 semaphore(%arg17 : memref<!tpu.dma_semaphore, #tpu.memory_space<semaphore_mem>>) src(%arg7 : memref<64x256xf32, #tpu.memory_space<vmem>>) dst(%dma_wait3A_12 : memref<64x256xf32, #tpu.memory_space<hbm>>)
    %dma_wait3A_13 = arith.constant 0 : i32
    %dma_wait3A_14 = tpu.memref_slice %arg4[%mul3A_2, %dma_wait3A_13] : memref<3276800x256xf32, #tpu.memory_space<hbm>> -> memref<64x256xf32, #tpu.memory_space<hbm>>
    %dma_wait3A_15 = arith.constant 0 : i32
    %dma_wait3A_16 = tpu.memref_slice %arg4[%mul3A_2, %dma_wait3A_15] : memref<3276800x256xf32, #tpu.memory_space<hbm>> -> memref<64x256xf32, #tpu.memory_space<hbm>>
    tpu.wait_dma2 semaphore(%arg18 : memref<!tpu.dma_semaphore, #tpu.memory_space<semaphore_mem>>) src(%arg8 : memref<64x256xf32, #tpu.memory_space<vmem>>) dst(%dma_wait3A_16 : memref<64x256xf32, #tpu.memory_space<hbm>>)
    %dma_wait3A_17 = arith.constant 0 : i32
    %dma_wait3A_18 = tpu.memref_slice %arg4[%mul3A_2, %dma_wait3A_17] : memref<3276800x256xf32, #tpu.memory_space<hbm>> -> memref<64x256xf32, #tpu.memory_space<hbm>>
    %dma_wait3A_19 = arith.constant 0 : i32
    %dma_wait3A_20 = tpu.memref_slice %arg4[%mul3A_2, %dma_wait3A_19] : memref<3276800x256xf32, #tpu.memory_space<hbm>> -> memref<64x256xf32, #tpu.memory_space<hbm>>
    tpu.wait_dma2 semaphore(%arg19 : memref<!tpu.dma_semaphore, #tpu.memory_space<semaphore_mem>>) src(%arg9 : memref<64x256xf32, #tpu.memory_space<vmem>>) dst(%dma_wait3A_20 : memref<64x256xf32, #tpu.memory_space<hbm>>)
    %dma_wait3A_21 = arith.constant 0 : i32
    %dma_wait3A_22 = tpu.memref_slice %arg4[%mul3A_2, %dma_wait3A_21] : memref<3276800x256xf32, #tpu.memory_space<hbm>> -> memref<64x256xf32, #tpu.memory_space<hbm>>
    %dma_wait3A_23 = arith.constant 0 : i32
    %dma_wait3A_24 = tpu.memref_slice %arg4[%mul3A_2, %dma_wait3A_23] : memref<3276800x256xf32, #tpu.memory_space<hbm>> -> memref<64x256xf32, #tpu.memory_space<hbm>>
    tpu.wait_dma2 semaphore(%arg20 : memref<!tpu.dma_semaphore, #tpu.memory_space<semaphore_mem>>) src(%arg10 : memref<64x256xf32, #tpu.memory_space<vmem>>) dst(%dma_wait3A_24 : memref<64x256xf32, #tpu.memory_space<hbm>>)
    return
  }
}

</mosaic_0001>

<sc_bundles>
// kernel: kernel.3.cloned.1.call-start
scs
__scs_entry_jumppad:
0x0: {  	(pc) =	sbr.rel $0x88, $3  }
0x1: {  	(tag) =	ssettag $0x0;
	lr =	simm.s32 $0x1  }
0x2: {  	[smem:$0x3F9F] =	sst lr;
	_ =	strace $0xD0000000  }
0x3: {  	_ = 	snop  }
0x4: {  	_ = 	snop  }
0x5: {  	_ = 	snop  }
0x6: {  	_ = 	snop  }
0x7: {  	_ = 	snop  }
__scs_overlays_trampoline_lowered:
0x8: {  	[smem:$0x3FAE] =	sst s0  }
0x9: {  	[smem:$0x3FAF] =	sst s1  }
0xa: {  	[smem:$0x3FB0] =	sst s2  }
0xb: {  	[smem:$0x3FB1] =	sst s3  }
0xc: {  	[smem:$0x3FB2] =	sst s4  }
0xd: {  	[smem:$0x3FB3] =	sst s5  }
0xe: {  	[smem:$0x3FB4] =	sst s6  }
0xf: {  	[smem:$0x3FB5] =	sst s7  }
0x10: {  	[smem:$0x3FB6] =	sst s8  }
0x11: {  	[smem:$0x3FB7] =	sst s9;
	s0 =	simm.s32 @!p0 $0x0  }
0x12: {  	s1 =	sld [smem:$0x3F9D];
	s0 =	simm.s32 @p0 $0x1  }
0x13: {  	[smem:$0x3FB8] =	sst s0;
	s0 =	simm.s32 @!p1 $0x0  }
0x14: {  	s2 =	sld [smem:$0x3F9C];
	s0 =	simm.s32 @p1 $0x1  }
0x15: {  	[smem:$0x3FB9] =	sst s0;
	s0 =	simm.s32 @!p2 $0x0  }
0x16: {  	s3 =	sld [smem:$0x3FDB];
	s0 =	simm.s32 @p2 $0x1  }
0x17: {  	s4 =	simm.s32 $0x1BF5;
	[smem:$0x3FBB] =	sst s0  }
0x18: {  	s0 =	sld [smem:$0x3F9E];
	_ =	swait.ge [sflag:s4], $0x0  }
0x19: {  	s7 =	sld [smem:$0x3F9F]  }
0x1a: {  	s8 =	sadd.s32 $0xFFFFE003, lr  }
0x1b: {  	s9 =	sadd.s32 $0xFFFFFEF7, lr;
	s5 =	simm.s32 $0xFFFFFFFF;
	p2 =	slt.u32 s8, $0xFFFFF086  }
0x1c: {  	p1 =	slt.u32 s9, $0xF7A;
	s5 =	simm.s32 @!p2 $0x0  }
0x1d: {  	s5 =	simm.s32 @p1 $0x1;
	p0 =	seq.s32 s7, s2  }
0x1e: {  	s7 =	smul.u32 @!p0 $0xF7A, s2;
	p2 =	seq.s32 @!p0 s5, $0x0  }
0x1f: {  	s9 =	smul.u32 $0xF7A, s1;
	s8 =	simm.s32 @!p0 $0x1BF5;
	p2 =	por !p2, p0  }
0x20: {  	[sflag:s8] =	ssyncset.s32 @!p0 $0xFFFFF086;
	s6 =	sadd.s32 @!p0 s3, s7;
	s7 =	simm.s32 @!p0 $0x108  }
0x21: {  	s3 =	sadd.s32 s3, s9;
	s6 =	sadd.s32 @!p0 $0x88, s6;
	s7 =	simm.s32 @p2 $0x1082  }
0x22: {  	[simem:s7], [sflag:s8] =	dma.local @!p0 [hbm:s6], $0xF7A  }
0x23: {  	s9 =	sor.u32 $0xD0000000, s2;
	s6 =	simm.s32 $0x108;
	_ =	swait.ge @!p0 [sflag:s8], $0x0  }
0x24: {  	s3 =	sadd.s32 $0x88, s3;
	s6 =	simm.s32 @!p1 $0x1082;
	[sflag:s4] =	ssyncset.s32 $0xFFFFF086  }
0x25: {  	[simem:s6], [sflag:s4] =	dma.local [hbm:s3], $0xF7A  }
0x26: {  	[smem:$0x3F9F] =	sst s1;
	(tag) =	ssettag s2;
	_ =	strace s9  }
0x27: {  	s1 =	sld [smem:$0x3FAF]  }
0x28: {  	s2 =	sld [smem:$0x3FB0]  }
0x29: {  	s4 =	sld [smem:$0x3FB2]  }
0x2a: {  	p0 =	seq.s32 s5, $0x0;
	s5 =	sld [smem:$0x3FB3]  }
0x2b: {  	s6 =	sld [smem:$0x3FB4]  }
0x2c: {  	s7 =	sld [smem:$0x3FB5]  }
0x2d: {  	s3 =	simm.s32 $0x108;
	s8 =	sld [smem:$0x3FB6]  }
0x2e: {  	s3 =	simm.s32 @!p0 $0x1082;
	s9 =	sld [smem:$0x3FB7]  }
0x2f: {  	lr =	sadd.s32 s0, s3;
	s0 =	sld [smem:$0x3FAE]  }
0x30: {  	s3 =	sld [smem:$0x3FB1]  }
0x31: {  	[smem:$0x3FBA] =	sst s10  }
0x32: {  	s10 =	sld [smem:$0x3FB8];
	_ =	sdelay $0x3  }
0x33: {  	p0 =	seq.s32 s10, $0x1;
	s10 =	sld [smem:$0x3FBA];
	_ =	sdelay $0x3  }
0x34: {  	[smem:$0x3FBA] =	sst s10  }
0x35: {  	s10 =	sld [smem:$0x3FB9];
	_ =	sdelay $0x3  }
0x36: {  	p1 =	seq.s32 s10, $0x1;
	s10 =	sld [smem:$0x3FBA];
	_ =	sdelay $0x3  }
0x37: {  	[smem:$0x3FBA] =	sst s10  }
0x38: {  	s10 =	sld [smem:$0x3FBB]  }
0x39: {  	_ = 	snop;
	(pc) =	sbr.ind lr, $3  }
0x3a: {  	_ = 	snop  }
0x3b: {  	_ = 	snop  }
0x3c: {  	p2 =	seq.s32 s10, $0x1;
	s10 =	sld [smem:$0x3FBA]  }
0x3d: {  	_ =	shalt  }
0x3e: {  	_ =	shalt  }
0x3f: {  	_ =	shalt  }
0x40: {  	_ =	shalt  }
0x41: {  	_ =	shalt  }
0x42: {  	_ =	shalt  }
0x43: {  	_ =	shalt  }
0x44: {  	_ =	shalt  }
0x45: {  	_ =	shalt  }
0x46: {  	_ =	shalt  }
0x47: {  	_ =	shalt  }
0x48: {  	_ =	shalt  }
0x49: {  	_ =	shalt  }
0x4a: {  	_ =	shalt  }
0x4b: {  	_ =	shalt  }
0x4c: {  	_ =	shalt  }
0x4d: {  	_ =	shalt  }
0x4e: {  	_ =	shalt  }
0x4f: {  	_ =	shalt  }
0x50: {  	_ =	shalt  }
0x51: {  	_ =	shalt  }
0x52: {  	_ =	shalt  }
0x53: {  	_ =	shalt  }
0x54: {  	_ =	shalt  }
0x55: {  	_ =	shalt  }
0x56: {  	_ =	shalt  }
0x57: {  	_ =	shalt  }
0x58: {  	_ =	shalt  }
0x59: {  	_ =	shalt  }
0x5a: {  	_ =	shalt  }
0x5b: {  	_ =	shalt  }
0x5c: {  	_ =	shalt  }
0x5d: {  	_ =	shalt  }
0x5e: {  	_ =	shalt  }
0x5f: {  	_ =	shalt  }
0x60: {  	_ =	shalt  }
0x61: {  	_ =	shalt  }
0x62: {  	_ =	shalt  }
0x63: {  	_ =	shalt  }
0x64: {  	_ =	shalt  }
0x65: {  	_ =	shalt  }
0x66: {  	_ =	shalt  }
0x67: {  	_ =	shalt  }
0x68: {  	_ =	shalt  }
0x69: {  	_ =	shalt  }
0x6a: {  	_ =	shalt  }
0x6b: {  	_ =	shalt  }
0x6c: {  	_ =	shalt  }
0x6d: {  	_ =	shalt  }
0x6e: {  	_ =	shalt  }
0x6f: {  	_ =	shalt  }
0x70: {  	_ =	shalt  }
0x71: {  	_ =	shalt  }
0x72: {  	_ =	shalt  }
0x73: {  	_ =	shalt  }
0x74: {  	_ =	shalt  }
0x75: {  	_ =	shalt  }
0x76: {  	_ =	shalt  }
0x77: {  	_ =	shalt  }
0x78: {  	_ =	shalt  }
0x79: {  	_ =	shalt  }
0x7a: {  	_ =	shalt  }
0x7b: {  	_ =	shalt  }
0x7c: {  	_ =	shalt  }
0x7d: {  	_ =	shalt  }
0x7e: {  	_ =	shalt  }
0x7f: {  	_ =	shalt  }
0x80: {  	_ =	shalt  }
0x81: {  	_ =	shalt  }
0x82: {  	_ =	shalt  }
0x83: {  	_ =	shalt  }
0x84: {  	_ =	shalt  }
0x85: {  	_ =	shalt  }
0x86: {  	_ =	shalt  }
0x87: {  	_ =	shalt  }
.Lfunc_end0:
.L_simem_size_0:
called_computation_lowered:
.L_overlay_start_0:
0x88: {  	s2 =	sld [smem:$0x3FD9]  }
0x89: {  	s3 =	sld [smem:$0x3FFE];
	_ =	sdelay $0x1  }
0x8a: {  	s1 =	srdreg.scid  }
0x8b: {  	s0 =	sand.u32 $0x1, s1  }
0x8c: {  	s17 =	sshll.u32 s0, $0xA;
	s2 =	sadd.s32 s3, s2  }
0x8d: {  	s2 =	sadd.s32 s2, s17  }
0x8e: {  	[smem:$0x3FC6] =	sst s2  }
0x8f: {  	_ = 	snop  }
0x90: {  	s2 =	sld [smem:$0x3FD0];
	(tm) =	ssettm $0x1  }
0x91: {  	s18 =	sld [smem:$0x3FFB];
	_ =	sdelay $0x3  }
0x92: {  	_ =	strace s18  }
0x93: {  	s3 =	sld [smem:$0x3FFC];
	_ =	sdelay $0x3  }
0x94: {  	_ =	strace s3  }
0x95: {  	s3 =	sld [smem:$0x3FFD];
	_ =	sdelay $0x3  }
0x96: {  	_ =	strace s3  }
0x97: {  	_ =	strace $0x8FFFFFFF  }
0x98: {  	s19 =	sld [smem:$0x3FDB];
	_ =	sdelay $0x1  }
0x99: {  	s4 =	simm.s32 $_scs_section_size  }
0x9a: {  	s5 =	simm.s32 $_size__tile_overlayer_lowered;
	s6 =	simm.s32 $_tile_overlayer_lowered  }
0x9b: {  	s22 =	simm.s32 $0x1BFF;
	s21 =	sshll.u32 s6, $0x1;
	s3 =	sadd.s32 s4, s19  }
0x9c: {  	s7 =	simm.s32 $0x0;
	s20 =	sshll.u32 s5, $0x1;
	s5 =	sadd.s32 s21, s3  }
0x9d: {  	[timem:s7], [sflag:s22] =	dma.local [hbm:s5], s20  }
0x9e: {  	_ =	swait.ge [sflag:s22], s20  }
0x9f: {  	s4 =	ssub.s32 $0x0, s20;
	[sflag:s22] =	ssyncset.done $0x0  }
0xa0: {  	[sflag:s22] =	ssyncadd.s32 s4;
	_ =	sdelay $0x1  }
0xa1: {  	s23 =	simm.s32 $0x1B8B  }
0xa2: {  	_ =	swait.ge [sflag:s23], $0x1  }
0xa3: {  	[sflag:s23] =	ssyncset.done $0x0  }
0xa4: {  	s25 =	simm.s32 $0x1B8E;
	s24 =	sld [smem:$0x3FFE];
	[sflag:s23] =	ssyncadd.s32 $0xFFFFFFFF  }
0xa5: {  	s26 =	simm.s32 $execute0_lowered;
	[smem:$0x3FD2] =	sst s25  }
0xa6: {  	s5 =	sshll.u32 s26, $0x1;
	_ =	strace $0x80000046;
	[dreg:$0x1] =	wrdreg $0xFFFFFFFF  }
0xa7: {  	s28 =	simm.s32 $_size_execute0_lowered;
	s3 =	sadd.s32 s3, s5;
	[dreg:$0x0] =	wrdreg $0x0  }
0xa8: {  	s5 =	sshll.u32 s28, $0x1;
	[dreg:$0x2] =	wrdreg s3  }
0xa9: {  	[dreg:$0x3] =	wrdreg s5  }
0xaa: {  	[dreg:$0x4] =	wrdreg $0xC0  }
0xab: {  	_ =	task [dreg:s7], $0x5FFFF  }
0xac: {  	[dreg:$0x1] =	wrdreg $0xFFFFFFFF  }
0xad: {  	[dreg:$0x0] =	wrdreg $0x60  }
0xae: {  	[dreg:$0x2] =	wrdreg s24  }
0xaf: {  	[dreg:$0x3] =	wrdreg s2  }
0xb0: {  	[dreg:$0x4] =	wrdreg $0x9  }
0xb1: {  	_ =	task.clear_ibuf [dreg:s7], $0x5FFFF;
	_ =	strace $0x90000046  }
0xb2: {  	s29 =	simm.s32 $0x9;
	_ =	strace $0x80000048  }
0xb3: {  	_ =	swait.ge [sflag:s29], $0x1  }
0xb4: {  	[sflag:s29] =	ssyncadd.s32 $0xFFFFFFFF  }
0xb5: {  	_ =	strace $0x90000048  }
0xb6: {  	_ =	sfence  }
0xb7: {  	s30 =	sld [smem:$0x0];
	_ =	sdelay $0x2  }
0xb8: {  	s31 =	sshll.u32 s1, $0xD;
	s1 =	sshrl.u32 s1, $0x2  }
0xb9: {  	s3 =	sand.u32 $0x4000, s31;
	s1 =	sadd.s32 s1, s30  }
0xba: {  	s0 =	sor.u32 s3, s0;
	s1 =	sshll.u32 s1, $0x11  }
0xbb: {  	s0 =	sor.u32 s1, s0  }
0xbc: {  	s0 =	sadd.s32 $0x8F2B, s0  }
0xbd: {  	[sflag:s0] =	ssyncadd.remote.s32 $0x1  }
0xbe: {  	_ =	sfence.sel $0xFFFF  }
0xbf: {  	[dreg:$0x0] =	wrdreg $0xFFFFFFFF;
	(pc) =	sbr.abs _section_cstart, $3  }
0xc0: {  	[dreg:$0x1] =	wrdreg $0xFFFFFFFF  }
0xc1: {  	_ =	task.clear_ibuf [dreg:s7], $0x2FFFF;
	_ =	strace $0x9FFFFFFF  }
0xc2: {  	(tm) =	ssettm $0x7FFFFFFF  }
0xc3: {  	_ =	shalt  }
tec
execute0_lowered:
.L_overlay_start_1:
0x0: {  	(tag) =	ssettag $0x1  }
0x1: {  	s0 =	rddreg [dreg:$0x0]  }
0x2: {  	s1 =	rddreg [dreg:$0x1]  }
0x3: {  	s3 =	srdreg.scid;
	s7 =	stileid.u32  }
0x4: {  	s2 =	simm.s32 $0x0;
	s13 =	simm.s32 $0x1000;
	s21 =	simm.s32 $0x5000  }
0x5: {  	s30 =	simm.s32 $0x9000;
	s18 =	simm.s32 $0x3;
	s19 =	simm.s32 $0x4  }
0x6: {  	s20 =	simm.s32 $0x5;
	s22 =	simm.s32 $0x6;
	s23 =	simm.s32 $0x7  }
0x7: {  	s24 =	simm.s32 $0x8;
	s25 =	simm.s32 $0x9;
	s12 =	simm.s32 $0xD800  }
0x8: {  	s14 =	simm.s32 $0xE800;
	s15 =	simm.s32 $0xF000;
	s16 =	simm.s32 $0xF800  }
0x9: {  	s17 =	simm.s32 $0x10000;
	s3 =	sand.u32 $0x1, s3;
	s4 =	sshll.u32 s7, $0x1  }
0xa: {  	[smem:$0x7FF] =	sst s2;
	s10 =	sadd.s32 $0x600, s0;
	s8 =	smul.u32 $0x640000, s7  }
0xb: {  	s5 =	sor.u32 s3, s4;
	_ =	strace $0x80000047;
	s6 =	ssub.s32 $0x2, s3  }
0xc: {  	s4 =	sadd.s32 $0x64600, s0;
	[dreg:$0x4] =	wrdreg s10;
	s3 =	smul.u32 $0x320000, s3  }
0xd: {  	s9 =	smul.u32 $0x19000, s5;
	s26 =	sshrl.u32 s6, $0x1;
	s7 =	sshll.u32 s5, $0x4  }
0xe: {  	s31 =	sadd.s32 s8, s1;
	s1 =	simm.s32 $0x0;
	s8 =	simm.s32 $0xC800  }
0xf: {  	s0 =	ssub.s32 s6, s26;
	[dreg:$0x3] =	wrdreg s9;
	s29 =	sadd.s32 $0x1000, s9  }
0x10: {  	s28 =	sshrl.u32 s9, $0x3;
	s0 =	smax.u32 s0, $0x1;
	[dreg:$0x6] =	wrdreg s29  }
0x11: {  	v2 =	vlaneseq.u32;
	s5 =	simm.s32 $0xE000;
	s6 =	sadd.s32 s10, s28;
	[dreg:$0x7] =	wrdreg s0  }
0x12: {  	vm0 =	vmmov $0xffff;
	v1 =	vshrl.u32 v2, $0x3;
	s26 =	simm.s32 $0xA;
	s0 =	sadd.s32 s3, s31;
	[dreg:$0x5] =	wrdreg s6  }
0x13: {  	v0 =	vand.u32 $0x7, v2;
	v2 =	vor.u32 $0x8, v2;
	v1 =	vmul.u32 $0x8, v1;
	s3 =	simm.s32 $0xD000;
	s10 =	simm.s32 $0x10800;
	[dreg:$0x8] =	wrdreg s0  }
.LBB2_1:
0x14: {  	[dreg:$0x9] =	wrdreg s1  }
0x15: {  	s0 =	rddreg [dreg:$0x5]  }
0x16: {  	s28 =	rddreg [dreg:$0x8];
	s29 =	simm.s32 $0x0  }
0x17: {  	[tilespmem:s2], [sflag:$0x1] =	stream.linear.gather [hbm4b:s0+s2], $0x800, $0x38;
	[tilespmem:$0x11000] =	vst v63  }
.LBB2_2:
0x18: {  	s1 =	sshll.u32 s29, $0xC;
	s0 =	rddreg [dreg:$0x3]  }
0x19: {  	s0 =	sadd.s32 s1, s0  }
0x1a: {  	s6 =	rddreg [dreg:$0x4];
	s0 =	sadd.s32 $0x800, s0  }
0x1b: {  	s31 =	simm.s32 $0x0;
	s9 =	simm.s32 $0x800;
	s0 =	sshrl.u32 s0, $0x3  }
0x1c: {  	s11 =	simm.s32 $0x1;
	[dreg:$0xa] =	wrdreg s1;
	s0 =	sadd.s32 s6, s0  }
0x1d: {  	[tilespmem:s9], [sflag:$0x2] =	stream.linear.gather [hbm4b:s0+s31], $0x800, $0x38;
	[tilespmem:$0x11000] =	vst v63  }
0x1e: {  	_ =	swait.ge [sflag:s11], $0x800  }
0x1f: {  	[sflag:s11] =	ssyncset.done $0x0  }
0x20: {  	s1 =	simm.s32 $0x0;
	s0 =	simm.s32 $0x80;
	[sflag:s11] =	ssyncadd.s32 $0xFFFFF800  }
.LBB2_3:
0x21: {  	s6 =	sor.u32 s29, s1  }
0x22: {  	p0 =	seq.s32 s6, $0x0  }
0x23: {  	s6 =	simm.s32 @!p0 $0x7  }
0x24: {  	_ =	swait.ge @!p0 [sflag:s6], $0x4000  }
0x25: {  	[sflag:s6] =	ssyncset.done @!p0 $0x0  }
0x26: {  	[sflag:s6] =	ssyncadd.s32 @!p0 $0xFFFFC000  }
0x27: {  	v3 =	vld [tilespmem:s0+$0xFFFFFF80];
	_ =	sdelay $0x4  }
0x28: {  	v4 =	vshll.u32 v3, $0x1  }
0x29: {  	v3 =	vand.u32 $0x7, v3;
	v4 =	vand.u32 $0xFFFFFFF0, v4  }
0x2a: {  	v3 =	vor.u32 v3, v4  }
0x2b: {  	v4 =	vperm.xlane v3, v0;
	_ =	sdelay $0x1  }
0x2c: {  	s9 =	sand.u32 $0x3, s1;
	v3 =	vperm.xlane v3, v2;
	v4 =	vadd.s32 v1, v4  }
0x2d: {  	s6 =	sor.u32 s7, s9  }
0x2e: {  	s9 =	smul.u32 $0x300, s6;
	v3 =	vadd.s32 v1, v3;
	_ =	sdelay $0x1  }
0x2f: {  	s9 =	sadd.s32 s4, s9  }
0x30: {  	[tilespmem:s13], [sflag:$0x3] =	stream.indirect_vreg.gather [hbm4b:s9+s2], $0x80, v4, vm0, $0xb8;
	[tilespmem:$0x11000] =	vst v63  }
0x31: {  	s11 =	simm.s32 $0x1800  }
0x32: {  	[tilespmem:s11], [sflag:$0x3] =	stream.indirect_vreg.gather [hbm4b:s9+s2], $0x80, v3, vm0, $0xb8;
	[tilespmem:$0x11000] =	vst v63  }
0x33: {  	v3 =	vld [tilespmem:s0+$0xFFFFFF90];
	_ =	sdelay $0x4  }
0x34: {  	v49 =	vshll.u32 v3, $0x1  }
0x35: {  	v3 =	vand.u32 $0x7, v3;
	v4 =	vand.u32 $0xFFFFFFF0, v49  }
0x36: {  	v3 =	vor.u32 v3, v4  }
0x37: {  	v4 =	vperm.xlane v3, v0;
	_ =	sdelay $0x1  }
0x38: {  	v3 =	vperm.xlane v3, v2;
	v4 =	vadd.s32 v1, v4;
	_ =	sdelay $0x1  }
0x39: {  	v3 =	vadd.s32 v1, v3;
	_ =	sdelay $0x1  }
0x3a: {  	s11 =	simm.s32 $0x2000  }
0x3b: {  	[tilespmem:s11], [sflag:$0x3] =	stream.indirect_vreg.gather [hbm4b:s9+s2], $0x80, v4, vm0, $0xb8;
	[tilespmem:$0x11000] =	vst v63  }
0x3c: {  	s11 =	simm.s32 $0x2800  }
0x3d: {  	[tilespmem:s11], [sflag:$0x3] =	stream.indirect_vreg.gather [hbm4b:s9+s2], $0x80, v3, vm0, $0xb8;
	[tilespmem:$0x11000] =	vst v63  }
0x3e: {  	v3 =	vld [tilespmem:s0+$0xFFFFFFA0];
	_ =	sdelay $0x4  }
0x3f: {  	v50 =	vshll.u32 v3, $0x1  }
0x40: {  	v3 =	vand.u32 $0x7, v3;
	v4 =	vand.u32 $0xFFFFFFF0, v50  }
0x41: {  	v3 =	vor.u32 v3, v4  }
0x42: {  	v4 =	vperm.xlane v3, v0;
	_ =	sdelay $0x1  }
0x43: {  	v3 =	vperm.xlane v3, v2;
	v4 =	vadd.s32 v1, v4;
	_ =	sdelay $0x1  }
0x44: {  	v3 =	vadd.s32 v1, v3;
	_ =	sdelay $0x1  }
0x45: {  	s11 =	simm.s32 $0x3000  }
0x46: {  	[tilespmem:s11], [sflag:$0x3] =	stream.indirect_vreg.gather [hbm4b:s9+s2], $0x80, v4, vm0, $0xb8;
	[tilespmem:$0x11000] =	vst v63  }
0x47: {  	s11 =	simm.s32 $0x3800  }
0x48: {  	[tilespmem:s11], [sflag:$0x3] =	stream.indirect_vreg.gather [hbm4b:s9+s2], $0x80, v3, vm0, $0xb8;
	[tilespmem:$0x11000] =	vst v63  }
0x49: {  	v3 =	vld [tilespmem:s0+$0xFFFFFFB0];
	_ =	sdelay $0x4  }
0x4a: {  	v51 =	vshll.u32 v3, $0x1  }
0x4b: {  	v3 =	vand.u32 $0x7, v3;
	v4 =	vand.u32 $0xFFFFFFF0, v51  }
0x4c: {  	v3 =	vor.u32 v3, v4  }
0x4d: {  	v4 =	vperm.xlane v3, v0;
	_ =	sdelay $0x1  }
0x4e: {  	v3 =	vperm.xlane v3, v2;
	v4 =	vadd.s32 v1, v4;
	_ =	sdelay $0x1  }
0x4f: {  	v3 =	vadd.s32 v1, v3;
	_ =	sdelay $0x1  }
0x50: {  	s11 =	simm.s32 $0x4000  }
0x51: {  	[tilespmem:s11], [sflag:$0x3] =	stream.indirect_vreg.gather [hbm4b:s9+s2], $0x80, v4, vm0, $0xb8;
	[tilespmem:$0x11000] =	vst v63  }
0x52: {  	s11 =	simm.s32 $0x4800  }
0x53: {  	[tilespmem:s11], [sflag:$0x3] =	stream.indirect_vreg.gather [hbm4b:s9+s2], $0x80, v3, vm0, $0xb8;
	[tilespmem:$0x11000] =	vst v63  }
0x54: {  	s9 =	simm.s32 @!p0 $0x8  }
0x55: {  	_ =	swait.ge @!p0 [sflag:s9], $0x4000  }
0x56: {  	[sflag:s9] =	ssyncset.done @!p0 $0x0  }
0x57: {  	[sflag:s9] =	ssyncadd.s32 @!p0 $0xFFFFC000  }
0x58: {  	v3 =	vld [tilespmem:s0+$0xFFFFFFC0];
	_ =	sdelay $0x4  }
0x59: {  	v52 =	vshll.u32 v3, $0x1  }
0x5a: {  	v3 =	vand.u32 $0x7, v3;
	v4 =	vand.u32 $0xFFFFFFF0, v52  }
0x5b: {  	v3 =	vor.u32 v3, v4  }
0x5c: {  	v4 =	vperm.xlane v3, v0;
	_ =	sdelay $0x1  }
0x5d: {  	s6 =	smul.u32 $0x1800, s6;
	v3 =	vperm.xlane v3, v2;
	v4 =	vadd.s32 v1, v4;
	_ =	sdelay $0x1  }
0x5e: {  	s6 =	sshrl.u32 s6, $0x3;
	v3 =	vadd.s32 v1, v3  }
0x5f: {  	s6 =	sadd.s32 s4, s6  }
0x60: {  	s9 =	sadd.s32 $0xC00, s6  }
0x61: {  	[tilespmem:s21], [sflag:$0x4] =	stream.indirect_vreg.gather [hbm4b:s9+s2], $0x80, v4, vm0, $0xb8;
	[tilespmem:$0x11000] =	vst v63  }
0x62: {  	s11 =	simm.s32 $0x5800  }
0x63: {  	[tilespmem:s11], [sflag:$0x4] =	stream.indirect_vreg.gather [hbm4b:s9+s2], $0x80, v3, vm0, $0xb8;
	[tilespmem:$0x11000] =	vst v63  }
0x64: {  	v3 =	vld [tilespmem:s0+$0xFFFFFFD0];
	_ =	sdelay $0x4  }
0x65: {  	v53 =	vshll.u32 v3, $0x1  }
0x66: {  	v3 =	vand.u32 $0x7, v3;
	v4 =	vand.u32 $0xFFFFFFF0, v53  }
0x67: {  	v3 =	vor.u32 v3, v4  }
0x68: {  	v4 =	vperm.xlane v3, v0;
	_ =	sdelay $0x1  }
0x69: {  	v3 =	vperm.xlane v3, v2;
	v4 =	vadd.s32 v1, v4;
	_ =	sdelay $0x1  }
0x6a: {  	v3 =	vadd.s32 v1, v3;
	_ =	sdelay $0x1  }
0x6b: {  	s11 =	simm.s32 $0x6000  }
0x6c: {  	[tilespmem:s11], [sflag:$0x4] =	stream.indirect_vreg.gather [hbm4b:s9+s2], $0x80, v4, vm0, $0xb8;
	[tilespmem:$0x11000] =	vst v63  }
0x6d: {  	s11 =	simm.s32 $0x6800  }
0x6e: {  	[tilespmem:s11], [sflag:$0x4] =	stream.indirect_vreg.gather [hbm4b:s9+s2], $0x80, v3, vm0, $0xb8;
	[tilespmem:$0x11000] =	vst v63  }
0x6f: {  	v3 =	vld [tilespmem:s0+$0xFFFFFFE0];
	_ =	sdelay $0x4  }
0x70: {  	v54 =	vshll.u32 v3, $0x1  }
0x71: {  	v3 =	vand.u32 $0x7, v3;
	v4 =	vand.u32 $0xFFFFFFF0, v54  }
0x72: {  	v3 =	vor.u32 v3, v4  }
0x73: {  	v4 =	vperm.xlane v3, v0;
	_ =	sdelay $0x1  }
0x74: {  	v3 =	vperm.xlane v3, v2;
	v4 =	vadd.s32 v1, v4;
	_ =	sdelay $0x1  }
0x75: {  	v3 =	vadd.s32 v1, v3;
	_ =	sdelay $0x1  }
0x76: {  	s11 =	simm.s32 $0x7000  }
0x77: {  	[tilespmem:s11], [sflag:$0x4] =	stream.indirect_vreg.gather [hbm4b:s9+s2], $0x80, v4, vm0, $0xb8;
	[tilespmem:$0x11000] =	vst v63  }
0x78: {  	s11 =	simm.s32 $0x7800  }
0x79: {  	[tilespmem:s11], [sflag:$0x4] =	stream.indirect_vreg.gather [hbm4b:s9+s2], $0x80, v3, vm0, $0xb8;
	[tilespmem:$0x11000] =	vst v63  }
0x7a: {  	v3 =	vld [tilespmem:s0+$0xFFFFFFF0];
	_ =	sdelay $0x4  }
0x7b: {  	v55 =	vshll.u32 v3, $0x1  }
0x7c: {  	v3 =	vand.u32 $0x7, v3;
	v4 =	vand.u32 $0xFFFFFFF0, v55  }
0x7d: {  	v3 =	vor.u32 v3, v4  }
0x7e: {  	v4 =	vperm.xlane v3, v0;
	_ =	sdelay $0x1  }
0x7f: {  	v3 =	vperm.xlane v3, v2;
	v4 =	vadd.s32 v1, v4;
	_ =	sdelay $0x1  }
0x80: {  	v3 =	vadd.s32 v1, v3;
	_ =	sdelay $0x1  }
0x81: {  	s11 =	simm.s32 $0x8000  }
0x82: {  	[tilespmem:s11], [sflag:$0x4] =	stream.indirect_vreg.gather [hbm4b:s9+s2], $0x80, v4, vm0, $0xb8;
	[tilespmem:$0x11000] =	vst v63  }
0x83: {  	s11 =	simm.s32 $0x8800  }
0x84: {  	[tilespmem:s11], [sflag:$0x4] =	stream.indirect_vreg.gather [hbm4b:s9+s2], $0x80, v3, vm0, $0xb8;
	[tilespmem:$0x11000] =	vst v63  }
0x85: {  	s9 =	simm.s32 @!p0 $0x9  }
0x86: {  	_ =	swait.ge @!p0 [sflag:s9], $0x4000  }
0x87: {  	[sflag:s9] =	ssyncset.done @!p0 $0x0  }
0x88: {  	[sflag:s9] =	ssyncadd.s32 @!p0 $0xFFFFC000  }
0x89: {  	v3 =	vld [tilespmem:s0+$0x0];
	_ =	sdelay $0x4  }
0x8a: {  	v56 =	vshll.u32 v3, $0x1  }
0x8b: {  	v3 =	vand.u32 $0x7, v3;
	v4 =	vand.u32 $0xFFFFFFF0, v56  }
0x8c: {  	v3 =	vor.u32 v3, v4  }
0x8d: {  	v4 =	vperm.xlane v3, v0;
	_ =	sdelay $0x1  }
0x8e: {  	v3 =	vperm.xlane v3, v2;
	v4 =	vadd.s32 v1, v4;
	_ =	sdelay $0x1  }
0x8f: {  	v3 =	vadd.s32 v1, v3;
	_ =	sdelay $0x1  }
0x90: {  	s9 =	sadd.s32 $0x1800, s6  }
0x91: {  	[tilespmem:s30], [sflag:$0x5] =	stream.indirect_vreg.gather [hbm4b:s9+s2], $0x80, v4, vm0, $0xb8;
	[tilespmem:$0x11000] =	vst v63  }
0x92: {  	s11 =	simm.s32 $0x9800  }
0x93: {  	[tilespmem:s11], [sflag:$0x5] =	stream.indirect_vreg.gather [hbm4b:s9+s2], $0x80, v3, vm0, $0xb8;
	[tilespmem:$0x11000] =	vst v63  }
0x94: {  	v3 =	vld [tilespmem:s0+$0x10];
	_ =	sdelay $0x4  }
0x95: {  	v57 =	vshll.u32 v3, $0x1  }
0x96: {  	v3 =	vand.u32 $0x7, v3;
	v4 =	vand.u32 $0xFFFFFFF0, v57  }
0x97: {  	v3 =	vor.u32 v3, v4  }
0x98: {  	v4 =	vperm.xlane v3, v0;
	_ =	sdelay $0x1  }
0x99: {  	v3 =	vperm.xlane v3, v2;
	v4 =	vadd.s32 v1, v4;
	_ =	sdelay $0x1  }
0x9a: {  	v3 =	vadd.s32 v1, v3;
	_ =	sdelay $0x1  }
0x9b: {  	s11 =	simm.s32 $0xA000  }
0x9c: {  	[tilespmem:s11], [sflag:$0x5] =	stream.indirect_vreg.gather [hbm4b:s9+s2], $0x80, v4, vm0, $0xb8;
	[tilespmem:$0x11000] =	vst v63  }
0x9d: {  	s11 =	simm.s32 $0xA800  }
0x9e: {  	[tilespmem:s11], [sflag:$0x5] =	stream.indirect_vreg.gather [hbm4b:s9+s2], $0x80, v3, vm0, $0xb8;
	[tilespmem:$0x11000] =	vst v63  }
0x9f: {  	v3 =	vld [tilespmem:s0+$0x20];
	_ =	sdelay $0x4  }
0xa0: {  	v58 =	vshll.u32 v3, $0x1  }
0xa1: {  	v3 =	vand.u32 $0x7, v3;
	v4 =	vand.u32 $0xFFFFFFF0, v58  }
0xa2: {  	v3 =	vor.u32 v3, v4  }
0xa3: {  	v4 =	vperm.xlane v3, v0;
	_ =	sdelay $0x1  }
0xa4: {  	v3 =	vperm.xlane v3, v2;
	v4 =	vadd.s32 v1, v4;
	_ =	sdelay $0x1  }
0xa5: {  	v3 =	vadd.s32 v1, v3;
	_ =	sdelay $0x1  }
0xa6: {  	s11 =	simm.s32 $0xB000  }
0xa7: {  	[tilespmem:s11], [sflag:$0x5] =	stream.indirect_vreg.gather [hbm4b:s9+s2], $0x80, v4, vm0, $0xb8;
	[tilespmem:$0x11000] =	vst v63  }
0xa8: {  	s11 =	simm.s32 $0xB800  }
0xa9: {  	[tilespmem:s11], [sflag:$0x5] =	stream.indirect_vreg.gather [hbm4b:s9+s2], $0x80, v3, vm0, $0xb8;
	[tilespmem:$0x11000] =	vst v63  }
0xaa: {  	v3 =	vld [tilespmem:s0+$0x30];
	_ =	sdelay $0x4  }
0xab: {  	v59 =	vshll.u32 v3, $0x1  }
0xac: {  	v3 =	vand.u32 $0x7, v3;
	v4 =	vand.u32 $0xFFFFFFF0, v59  }
0xad: {  	v3 =	vor.u32 v3, v4  }
0xae: {  	v4 =	vperm.xlane v3, v0;
	_ =	sdelay $0x1  }
0xaf: {  	v3 =	vperm.xlane v3, v2;
	v4 =	vadd.s32 v1, v4;
	_ =	sdelay $0x1  }
0xb0: {  	v3 =	vadd.s32 v1, v3;
	_ =	sdelay $0x1  }
0xb1: {  	s11 =	simm.s32 $0xC000  }
0xb2: {  	[tilespmem:s11], [sflag:$0x5] =	stream.indirect_vreg.gather [hbm4b:s9+s2], $0x80, v4, vm0, $0xb8;
	[tilespmem:$0x11000] =	vst v63  }
0xb3: {  	_ = 	snop  }
0xb4: {  	[tilespmem:s8], [sflag:$0x5] =	stream.indirect_vreg.gather [hbm4b:s9+s2], $0x80, v3, vm0, $0xb8;
	[tilespmem:$0x11000] =	vst v63  }
0xb5: {  	s9 =	simm.s32 @!p0 $0xA  }
0xb6: {  	_ =	swait.ge @!p0 [sflag:s9], $0x4000  }
0xb7: {  	[sflag:s9] =	ssyncset.done @!p0 $0x0  }
0xb8: {  	[sflag:s9] =	ssyncadd.s32 @!p0 $0xFFFFC000  }
0xb9: {  	v3 =	vld [tilespmem:s0+$0x40];
	_ =	sdelay $0x4  }
0xba: {  	v60 =	vshll.u32 v3, $0x1  }
0xbb: {  	v3 =	vand.u32 $0x7, v3;
	v4 =	vand.u32 $0xFFFFFFF0, v60  }
0xbc: {  	v3 =	vor.u32 v3, v4  }
0xbd: {  	v4 =	vperm.xlane v3, v0;
	_ =	sdelay $0x1  }
0xbe: {  	v3 =	vperm.xlane v3, v2;
	v4 =	vadd.s32 v1, v4;
	_ =	sdelay $0x1  }
0xbf: {  	v3 =	vadd.s32 v1, v3;
	_ =	sdelay $0x1  }
0xc0: {  	s6 =	sadd.s32 $0x2400, s6  }
0xc1: {  	[tilespmem:s3], [sflag:$0x6] =	stream.indirect_vreg.gather [hbm4b:s6+s2], $0x80, v4, vm0, $0xb8;
	[tilespmem:$0x11000] =	vst v63  }
0xc2: {  	_ = 	snop  }
0xc3: {  	[tilespmem:s12], [sflag:$0x6] =	stream.indirect_vreg.gather [hbm4b:s6+s2], $0x80, v3, vm0, $0xb8;
	[tilespmem:$0x11000] =	vst v63  }
0xc4: {  	v3 =	vld [tilespmem:s0+$0x50];
	_ =	sdelay $0x4  }
0xc5: {  	v61 =	vshll.u32 v3, $0x1  }
0xc6: {  	v3 =	vand.u32 $0x7, v3;
	v4 =	vand.u32 $0xFFFFFFF0, v61  }
0xc7: {  	v3 =	vor.u32 v3, v4  }
0xc8: {  	v4 =	vperm.xlane v3, v0;
	_ =	sdelay $0x1  }
0xc9: {  	v3 =	vperm.xlane v3, v2;
	v4 =	vadd.s32 v1, v4;
	_ =	sdelay $0x1  }
0xca: {  	v3 =	vadd.s32 v1, v3;
	_ =	sdelay $0x2  }
0xcb: {  	[tilespmem:s5], [sflag:$0x6] =	stream.indirect_vreg.gather [hbm4b:s6+s2], $0x80, v4, vm0, $0xb8;
	[tilespmem:$0x11000] =	vst v63  }
0xcc: {  	_ = 	snop  }
0xcd: {  	[tilespmem:s14], [sflag:$0x6] =	stream.indirect_vreg.gather [hbm4b:s6+s2], $0x80, v3, vm0, $0xb8;
	[tilespmem:$0x11000] =	vst v63  }
0xce: {  	v3 =	vld [tilespmem:s0+$0x60];
	_ =	sdelay $0x4  }
0xcf: {  	v62 =	vshll.u32 v3, $0x1  }
0xd0: {  	v3 =	vand.u32 $0x7, v3;
	v4 =	vand.u32 $0xFFFFFFF0, v62  }
0xd1: {  	v3 =	vor.u32 v3, v4  }
0xd2: {  	v4 =	vperm.xlane v3, v0;
	_ =	sdelay $0x1  }
0xd3: {  	v3 =	vperm.xlane v3, v2;
	v4 =	vadd.s32 v1, v4;
	_ =	sdelay $0x1  }
0xd4: {  	v3 =	vadd.s32 v1, v3;
	_ =	sdelay $0x2  }
0xd5: {  	[tilespmem:s15], [sflag:$0x6] =	stream.indirect_vreg.gather [hbm4b:s6+s2], $0x80, v4, vm0, $0xb8;
	[tilespmem:$0x11000] =	vst v63  }
0xd6: {  	_ = 	snop  }
0xd7: {  	[tilespmem:s16], [sflag:$0x6] =	stream.indirect_vreg.gather [hbm4b:s6+s2], $0x80, v3, vm0, $0xb8;
	[tilespmem:$0x11000] =	vst v63  }
0xd8: {  	v3 =	vld [tilespmem:s0+$0x70];
	_ =	sdelay $0x4  }
0xd9: {  	v63 =	vshll.u32 v3, $0x1  }
0xda: {  	v3 =	vand.u32 $0x7, v3;
	v4 =	vand.u32 $0xFFFFFFF0, v63  }
0xdb: {  	v3 =	vor.u32 v3, v4  }
0xdc: {  	v4 =	vperm.xlane v3, v0;
	_ =	sdelay $0x1  }
0xdd: {  	v3 =	vperm.xlane v3, v2;
	v4 =	vadd.s32 v1, v4;
	_ =	sdelay $0x1  }
0xde: {  	v3 =	vadd.s32 v1, v3;
	_ =	sdelay $0x2  }
0xdf: {  	[tilespmem:s17], [sflag:$0x6] =	stream.indirect_vreg.gather [hbm4b:s6+s2], $0x80, v4, vm0, $0xb8;
	[tilespmem:$0x11000] =	vst v63  }
0xe0: {  	_ = 	snop  }
0xe1: {  	[tilespmem:s10], [sflag:$0x6] =	stream.indirect_vreg.gather [hbm4b:s6+s2], $0x80, v3, vm0, $0xb8;
	[tilespmem:$0x11000] =	vst v63  }
0xe2: {  	_ =	swait.ge [sflag:s18], $0x4000  }
0xe3: {  	[sflag:s18] =	ssyncset.done $0x0  }
0xe4: {  	s6 =	sadd.s32 s31, s28;
	[sflag:s18] =	ssyncadd.s32 $0xFFFFC000  }
0xe5: {  	[hbm4b:s6+s2] =	stream.linear.scatter [tilespmem:s13], [sflag:$0x7], $0x4000, $0x38;
	[tilespmem:$0x11000] =	vst v63  }
0xe6: {  	_ =	swait.ge [sflag:s19], $0x4000  }
0xe7: {  	[sflag:s19] =	ssyncset.done $0x0  }
0xe8: {  	s11 =	sadd.s32 $0x800, s6;
	[sflag:s19] =	ssyncadd.s32 $0xFFFFC000  }
0xe9: {  	[hbm4b:s11+s2] =	stream.linear.scatter [tilespmem:s21], [sflag:$0x8], $0x4000, $0x38;
	[tilespmem:$0x11000] =	vst v63  }
0xea: {  	_ =	swait.ge [sflag:s20], $0x4000  }
0xeb: {  	s31 =	sadd.s32 $0x2000, s31;
	[sflag:s20] =	ssyncset.done $0x0  }
0xec: {  	p0 =	sne.s32 s31, $0x10000;
	s11 =	sadd.s32 $0x1000, s6;
	[sflag:s20] =	ssyncadd.s32 $0xFFFFC000  }
0xed: {  	[hbm4b:s11+s2] =	stream.linear.scatter [tilespmem:s30], [sflag:$0x9], $0x4000, $0x38;
	[tilespmem:$0x11000] =	vst v63  }
.Ltmp0:
0xee: {  	_ = 	snop;
	(pc) =	sbr.rel @p0 .LBB2_3-.Ltmp0, $4  }
0xef: {  	_ =	swait.ge [sflag:s22], $0x4000  }
0xf0: {  	s1 =	sadd.s32 $0x1, s1;
	[sflag:s22] =	ssyncset.done $0x0  }
0xf1: {  	s0 =	sadd.s32 $0x100, s0;
	s6 =	sadd.s32 $0x1800, s6;
	[sflag:s22] =	ssyncadd.s32 $0xFFFFC000  }
0xf2: {  	[hbm4b:s6+s2] =	stream.linear.scatter [tilespmem:s3], [sflag:$0xA], $0x4000, $0x38;
	[tilespmem:$0x11000] =	vst v63  }
0xf3: {  	s0 =	rddreg [dreg:$0x6]  }
0xf4: {  	p0 =	seq.s32 s29, $0x18;
	s1 =	rddreg [dreg:$0xa]  }
0xf5: {  	s0 =	sadd.s32 @!p0 s1, s0  }
0xf6: {  	s1 =	rddreg [dreg:$0x4];
	s0 =	sshrl.u32 @!p0 s0, $0x3  }
0xf7: {  	s11 =	simm.s32 $0x2;
	s0 =	sadd.s32 @!p0 s1, s0;
	s1 =	simm.s32 @!p0 $0x0  }
0xf8: {  	[tilespmem:s1], [sflag:$0x1] =	stream.linear.gather @!p0 [hbm4b:s0+s1], $0x800, $0x38;
	[tilespmem:$0x11000] =	vst v63  }
0xf9: {  	_ =	swait.ge [sflag:s11], $0x800  }
0xfa: {  	s31 =	simm.s32 $0x0;
	[sflag:s11] =	ssyncset.done $0x0  }
0xfb: {  	s0 =	simm.s32 $0x0;
	s1 =	simm.s32 $0x880;
	[sflag:s11] =	ssyncadd.s32 $0xFFFFF800  }
.LBB2_5:
0xfc: {  	_ =	swait.ge [sflag:s23], $0x4000  }
0xfd: {  	[sflag:s23] =	ssyncset.done $0x0  }
0xfe: {  	[sflag:s23] =	ssyncadd.s32 $0xFFFFC000  }
0xff: {  	v3 =	vld [tilespmem:s1+$0xFFFFFF80];
	_ =	sdelay $0x4  }
0x100: {  	v4 =	vshll.u32 v3, $0x1  }
0x101: {  	v3 =	vand.u32 $0x7, v3;
	v4 =	vand.u32 $0xFFFFFFF0, v4  }
0x102: {  	v3 =	vor.u32 v3, v4  }
0x103: {  	v4 =	vperm.xlane v3, v0;
	_ =	sdelay $0x1  }
0x104: {  	s6 =	sand.u32 $0x3, s31;
	v3 =	vperm.xlane v3, v2;
	v4 =	vadd.s32 v1, v4  }
0x105: {  	s6 =	sor.u32 s7, s6  }
0x106: {  	s9 =	smul.u32 $0x300, s6;
	v3 =	vadd.s32 v1, v3;
	_ =	sdelay $0x1  }
0x107: {  	s9 =	sadd.s32 s4, s9  }
0x108: {  	[tilespmem:s13], [sflag:$0x3] =	stream.indirect_vreg.gather [hbm4b:s9+s2], $0x80, v4, vm0, $0xb8;
	[tilespmem:$0x11000] =	vst v63  }
0x109: {  	s11 =	simm.s32 $0x1800  }
0x10a: {  	[tilespmem:s11], [sflag:$0x3] =	stream.indirect_vreg.gather [hbm4b:s9+s2], $0x80, v3, vm0, $0xb8;
	[tilespmem:$0x11000] =	vst v63  }
0x10b: {  	v3 =	vld [tilespmem:s1+$0xFFFFFF90];
	_ =	sdelay $0x4  }
0x10c: {  	v49 =	vshll.u32 v3, $0x1  }
0x10d: {  	v3 =	vand.u32 $0x7, v3;
	v4 =	vand.u32 $0xFFFFFFF0, v49  }
0x10e: {  	v3 =	vor.u32 v3, v4  }
0x10f: {  	v4 =	vperm.xlane v3, v0;
	_ =	sdelay $0x1  }
0x110: {  	v3 =	vperm.xlane v3, v2;
	v4 =	vadd.s32 v1, v4;
	_ =	sdelay $0x1  }
0x111: {  	v3 =	vadd.s32 v1, v3;
	_ =	sdelay $0x1  }
0x112: {  	s11 =	simm.s32 $0x2000  }
0x113: {  	[tilespmem:s11], [sflag:$0x3] =	stream.indirect_vreg.gather [hbm4b:s9+s2], $0x80, v4, vm0, $0xb8;
	[tilespmem:$0x11000] =	vst v63  }
0x114: {  	s11 =	simm.s32 $0x2800  }
0x115: {  	[tilespmem:s11], [sflag:$0x3] =	stream.indirect_vreg.gather [hbm4b:s9+s2], $0x80, v3, vm0, $0xb8;
	[tilespmem:$0x11000] =	vst v63  }
0x116: {  	v3 =	vld [tilespmem:s1+$0xFFFFFFA0];
	_ =	sdelay $0x4  }
0x117: {  	v50 =	vshll.u32 v3, $0x1  }
0x118: {  	v3 =	vand.u32 $0x7, v3;
	v4 =	vand.u32 $0xFFFFFFF0, v50  }
0x119: {  	v3 =	vor.u32 v3, v4  }
0x11a: {  	v4 =	vperm.xlane v3, v0;
	_ =	sdelay $0x1  }
0x11b: {  	v3 =	vperm.xlane v3, v2;
	v4 =	vadd.s32 v1, v4;
	_ =	sdelay $0x1  }
0x11c: {  	v3 =	vadd.s32 v1, v3;
	_ =	sdelay $0x1  }
0x11d: {  	s11 =	simm.s32 $0x3000  }
0x11e: {  	[tilespmem:s11], [sflag:$0x3] =	stream.indirect_vreg.gather [hbm4b:s9+s2], $0x80, v4, vm0, $0xb8;
	[tilespmem:$0x11000] =	vst v63  }
0x11f: {  	s11 =	simm.s32 $0x3800  }
0x120: {  	[tilespmem:s11], [sflag:$0x3] =	stream.indirect_vreg.gather [hbm4b:s9+s2], $0x80, v3, vm0, $0xb8;
	[tilespmem:$0x11000] =	vst v63  }
0x121: {  	v3 =	vld [tilespmem:s1+$0xFFFFFFB0];
	_ =	sdelay $0x4  }
0x122: {  	v51 =	vshll.u32 v3, $0x1  }
0x123: {  	v3 =	vand.u32 $0x7, v3;
	v4 =	vand.u32 $0xFFFFFFF0, v51  }
0x124: {  	v3 =	vor.u32 v3, v4  }
0x125: {  	v4 =	vperm.xlane v3, v0;
	_ =	sdelay $0x1  }
0x126: {  	v3 =	vperm.xlane v3, v2;
	v4 =	vadd.s32 v1, v4;
	_ =	sdelay $0x1  }
0x127: {  	v3 =	vadd.s32 v1, v3;
	_ =	sdelay $0x1  }
0x128: {  	s11 =	simm.s32 $0x4000  }
0x129: {  	[tilespmem:s11], [sflag:$0x3] =	stream.indirect_vreg.gather [hbm4b:s9+s2], $0x80, v4, vm0, $0xb8;
	[tilespmem:$0x11000] =	vst v63  }
0x12a: {  	s11 =	simm.s32 $0x4800  }
0x12b: {  	[tilespmem:s11], [sflag:$0x3] =	stream.indirect_vreg.gather [hbm4b:s9+s2], $0x80, v3, vm0, $0xb8;
	[tilespmem:$0x11000] =	vst v63  }
0x12c: {  	_ =	swait.ge [sflag:s24], $0x4000  }
0x12d: {  	[sflag:s24] =	ssyncset.done $0x0  }
0x12e: {  	[sflag:s24] =	ssyncadd.s32 $0xFFFFC000  }
0x12f: {  	v3 =	vld [tilespmem:s1+$0xFFFFFFC0];
	_ =	sdelay $0x4  }
0x130: {  	v52 =	vshll.u32 v3, $0x1  }
0x131: {  	v3 =	vand.u32 $0x7, v3;
	v4 =	vand.u32 $0xFFFFFFF0, v52  }
0x132: {  	v3 =	vor.u32 v3, v4  }
0x133: {  	v4 =	vperm.xlane v3, v0;
	_ =	sdelay $0x1  }
0x134: {  	s6 =	smul.u32 $0x1800, s6;
	v3 =	vperm.xlane v3, v2;
	v4 =	vadd.s32 v1, v4;
	_ =	sdelay $0x1  }
0x135: {  	s6 =	sshrl.u32 s6, $0x3;
	v3 =	vadd.s32 v1, v3  }
0x136: {  	s6 =	sadd.s32 s4, s6  }
0x137: {  	s9 =	sadd.s32 $0xC00, s6  }
0x138: {  	[tilespmem:s21], [sflag:$0x4] =	stream.indirect_vreg.gather [hbm4b:s9+s2], $0x80, v4, vm0, $0xb8;
	[tilespmem:$0x11000] =	vst v63  }
0x139: {  	s11 =	simm.s32 $0x5800  }
0x13a: {  	[tilespmem:s11], [sflag:$0x4] =	stream.indirect_vreg.gather [hbm4b:s9+s2], $0x80, v3, vm0, $0xb8;
	[tilespmem:$0x11000] =	vst v63  }
0x13b: {  	v3 =	vld [tilespmem:s1+$0xFFFFFFD0];
	_ =	sdelay $0x4  }
0x13c: {  	v53 =	vshll.u32 v3, $0x1  }
0x13d: {  	v3 =	vand.u32 $0x7, v3;
	v4 =	vand.u32 $0xFFFFFFF0, v53  }
0x13e: {  	v3 =	vor.u32 v3, v4  }
0x13f: {  	v4 =	vperm.xlane v3, v0;
	_ =	sdelay $0x1  }
0x140: {  	v3 =	vperm.xlane v3, v2;
	v4 =	vadd.s32 v1, v4;
	_ =	sdelay $0x1  }
0x141: {  	v3 =	vadd.s32 v1, v3;
	_ =	sdelay $0x1  }
0x142: {  	s11 =	simm.s32 $0x6000  }
0x143: {  	[tilespmem:s11], [sflag:$0x4] =	stream.indirect_vreg.gather [hbm4b:s9+s2], $0x80, v4, vm0, $0xb8;
	[tilespmem:$0x11000] =	vst v63  }
0x144: {  	s11 =	simm.s32 $0x6800  }
0x145: {  	[tilespmem:s11], [sflag:$0x4] =	stream.indirect_vreg.gather [hbm4b:s9+s2], $0x80, v3, vm0, $0xb8;
	[tilespmem:$0x11000] =	vst v63  }
0x146: {  	v3 =	vld [tilespmem:s1+$0xFFFFFFE0];
	_ =	sdelay $0x4  }
0x147: {  	v54 =	vshll.u32 v3, $0x1  }
0x148: {  	v3 =	vand.u32 $0x7, v3;
	v4 =	vand.u32 $0xFFFFFFF0, v54  }
0x149: {  	v3 =	vor.u32 v3, v4  }
0x14a: {  	v4 =	vperm.xlane v3, v0;
	_ =	sdelay $0x1  }
0x14b: {  	v3 =	vperm.xlane v3, v2;
	v4 =	vadd.s32 v1, v4;
	_ =	sdelay $0x1  }
0x14c: {  	v3 =	vadd.s32 v1, v3;
	_ =	sdelay $0x1  }
0x14d: {  	s11 =	simm.s32 $0x7000  }
0x14e: {  	[tilespmem:s11], [sflag:$0x4] =	stream.indirect_vreg.gather [hbm4b:s9+s2], $0x80, v4, vm0, $0xb8;
	[tilespmem:$0x11000] =	vst v63  }
0x14f: {  	s11 =	simm.s32 $0x7800  }
0x150: {  	[tilespmem:s11], [sflag:$0x4] =	stream.indirect_vreg.gather [hbm4b:s9+s2], $0x80, v3, vm0, $0xb8;
	[tilespmem:$0x11000] =	vst v63  }
0x151: {  	v3 =	vld [tilespmem:s1+$0xFFFFFFF0];
	_ =	sdelay $0x4  }
0x152: {  	v55 =	vshll.u32 v3, $0x1  }
0x153: {  	v3 =	vand.u32 $0x7, v3;
	v4 =	vand.u32 $0xFFFFFFF0, v55  }
0x154: {  	v3 =	vor.u32 v3, v4  }
0x155: {  	v4 =	vperm.xlane v3, v0;
	_ =	sdelay $0x1  }
0x156: {  	v3 =	vperm.xlane v3, v2;
	v4 =	vadd.s32 v1, v4;
	_ =	sdelay $0x1  }
0x157: {  	v3 =	vadd.s32 v1, v3;
	_ =	sdelay $0x1  }
0x158: {  	s11 =	simm.s32 $0x8000  }
0x159: {  	[tilespmem:s11], [sflag:$0x4] =	stream.indirect_vreg.gather [hbm4b:s9+s2], $0x80, v4, vm0, $0xb8;
	[tilespmem:$0x11000] =	vst v63  }
0x15a: {  	s11 =	simm.s32 $0x8800  }
0x15b: {  	[tilespmem:s11], [sflag:$0x4] =	stream.indirect_vreg.gather [hbm4b:s9+s2], $0x80, v3, vm0, $0xb8;
	[tilespmem:$0x11000] =	vst v63  }
0x15c: {  	_ =	swait.ge [sflag:s25], $0x4000  }
0x15d: {  	[sflag:s25] =	ssyncset.done $0x0  }
0x15e: {  	[sflag:s25] =	ssyncadd.s32 $0xFFFFC000  }
0x15f: {  	v3 =	vld [tilespmem:s1+$0x0];
	_ =	sdelay $0x4  }
0x160: {  	v56 =	vshll.u32 v3, $0x1  }
0x161: {  	v3 =	vand.u32 $0x7, v3;
	v4 =	vand.u32 $0xFFFFFFF0, v56  }
0x162: {  	v3 =	vor.u32 v3, v4  }
0x163: {  	v4 =	vperm.xlane v3, v0;
	_ =	sdelay $0x1  }
0x164: {  	v3 =	vperm.xlane v3, v2;
	v4 =	vadd.s32 v1, v4;
	_ =	sdelay $0x1  }
0x165: {  	v3 =	vadd.s32 v1, v3;
	_ =	sdelay $0x1  }
0x166: {  	s9 =	sadd.s32 $0x1800, s6  }
0x167: {  	[tilespmem:s30], [sflag:$0x5] =	stream.indirect_vreg.gather [hbm4b:s9+s2], $0x80, v4, vm0, $0xb8;
	[tilespmem:$0x11000] =	vst v63  }
0x168: {  	s11 =	simm.s32 $0x9800  }
0x169: {  	[tilespmem:s11], [sflag:$0x5] =	stream.indirect_vreg.gather [hbm4b:s9+s2], $0x80, v3, vm0, $0xb8;
	[tilespmem:$0x11000] =	vst v63  }
0x16a: {  	v3 =	vld [tilespmem:s1+$0x10];
	_ =	sdelay $0x4  }
0x16b: {  	v57 =	vshll.u32 v3, $0x1  }
0x16c: {  	v3 =	vand.u32 $0x7, v3;
	v4 =	vand.u32 $0xFFFFFFF0, v57  }
0x16d: {  	v3 =	vor.u32 v3, v4  }
0x16e: {  	v4 =	vperm.xlane v3, v0;
	_ =	sdelay $0x1  }
0x16f: {  	v3 =	vperm.xlane v3, v2;
	v4 =	vadd.s32 v1, v4;
	_ =	sdelay $0x1  }
0x170: {  	v3 =	vadd.s32 v1, v3;
	_ =	sdelay $0x1  }
0x171: {  	s11 =	simm.s32 $0xA000  }
0x172: {  	[tilespmem:s11], [sflag:$0x5] =	stream.indirect_vreg.gather [hbm4b:s9+s2], $0x80, v4, vm0, $0xb8;
	[tilespmem:$0x11000] =	vst v63  }
0x173: {  	s11 =	simm.s32 $0xA800  }
0x174: {  	[tilespmem:s11], [sflag:$0x5] =	stream.indirect_vreg.gather [hbm4b:s9+s2], $0x80, v3, vm0, $0xb8;
	[tilespmem:$0x11000] =	vst v63  }
0x175: {  	v3 =	vld [tilespmem:s1+$0x20];
	_ =	sdelay $0x4  }
0x176: {  	v58 =	vshll.u32 v3, $0x1  }
0x177: {  	v3 =	vand.u32 $0x7, v3;
	v4 =	vand.u32 $0xFFFFFFF0, v58  }
0x178: {  	v3 =	vor.u32 v3, v4  }
0x179: {  	v4 =	vperm.xlane v3, v0;
	_ =	sdelay $0x1  }
0x17a: {  	v3 =	vperm.xlane v3, v2;
	v4 =	vadd.s32 v1, v4;
	_ =	sdelay $0x1  }
0x17b: {  	v3 =	vadd.s32 v1, v3;
	_ =	sdelay $0x1  }
0x17c: {  	s11 =	simm.s32 $0xB000  }
0x17d: {  	[tilespmem:s11], [sflag:$0x5] =	stream.indirect_vreg.gather [hbm4b:s9+s2], $0x80, v4, vm0, $0xb8;
	[tilespmem:$0x11000] =	vst v63  }
0x17e: {  	s11 =	simm.s32 $0xB800  }
0x17f: {  	[tilespmem:s11], [sflag:$0x5] =	stream.indirect_vreg.gather [hbm4b:s9+s2], $0x80, v3, vm0, $0xb8;
	[tilespmem:$0x11000] =	vst v63  }
0x180: {  	v3 =	vld [tilespmem:s1+$0x30];
	_ =	sdelay $0x4  }
0x181: {  	v59 =	vshll.u32 v3, $0x1  }
0x182: {  	v3 =	vand.u32 $0x7, v3;
	v4 =	vand.u32 $0xFFFFFFF0, v59  }
0x183: {  	v3 =	vor.u32 v3, v4  }
0x184: {  	v4 =	vperm.xlane v3, v0;
	_ =	sdelay $0x1  }
0x185: {  	v3 =	vperm.xlane v3, v2;
	v4 =	vadd.s32 v1, v4;
	_ =	sdelay $0x1  }
0x186: {  	v3 =	vadd.s32 v1, v3;
	_ =	sdelay $0x1  }
0x187: {  	s11 =	simm.s32 $0xC000  }
0x188: {  	[tilespmem:s11], [sflag:$0x5] =	stream.indirect_vreg.gather [hbm4b:s9+s2], $0x80, v4, vm0, $0xb8;
	[tilespmem:$0x11000] =	vst v63  }
0x189: {  	_ = 	snop  }
0x18a: {  	[tilespmem:s8], [sflag:$0x5] =	stream.indirect_vreg.gather [hbm4b:s9+s2], $0x80, v3, vm0, $0xb8;
	[tilespmem:$0x11000] =	vst v63  }
0x18b: {  	_ =	swait.ge [sflag:s26], $0x4000  }
0x18c: {  	[sflag:s26] =	ssyncset.done $0x0  }
0x18d: {  	[sflag:s26] =	ssyncadd.s32 $0xFFFFC000  }
0x18e: {  	v3 =	vld [tilespmem:s1+$0x40];
	_ =	sdelay $0x4  }
0x18f: {  	v60 =	vshll.u32 v3, $0x1  }
0x190: {  	v3 =	vand.u32 $0x7, v3;
	v4 =	vand.u32 $0xFFFFFFF0, v60  }
0x191: {  	v3 =	vor.u32 v3, v4  }
0x192: {  	v4 =	vperm.xlane v3, v0;
	_ =	sdelay $0x1  }
0x193: {  	v3 =	vperm.xlane v3, v2;
	v4 =	vadd.s32 v1, v4;
	_ =	sdelay $0x1  }
0x194: {  	v3 =	vadd.s32 v1, v3;
	_ =	sdelay $0x1  }
0x195: {  	s6 =	sadd.s32 $0x2400, s6  }
0x196: {  	[tilespmem:s3], [sflag:$0x6] =	stream.indirect_vreg.gather [hbm4b:s6+s2], $0x80, v4, vm0, $0xb8;
	[tilespmem:$0x11000] =	vst v63  }
0x197: {  	_ = 	snop  }
0x198: {  	[tilespmem:s12], [sflag:$0x6] =	stream.indirect_vreg.gather [hbm4b:s6+s2], $0x80, v3, vm0, $0xb8;
	[tilespmem:$0x11000] =	vst v63  }
0x199: {  	v3 =	vld [tilespmem:s1+$0x50];
	_ =	sdelay $0x4  }
0x19a: {  	v61 =	vshll.u32 v3, $0x1  }
0x19b: {  	v3 =	vand.u32 $0x7, v3;
	v4 =	vand.u32 $0xFFFFFFF0, v61  }
0x19c: {  	v3 =	vor.u32 v3, v4  }
0x19d: {  	v4 =	vperm.xlane v3, v0;
	_ =	sdelay $0x1  }
0x19e: {  	v3 =	vperm.xlane v3, v2;
	v4 =	vadd.s32 v1, v4;
	_ =	sdelay $0x1  }
0x19f: {  	v3 =	vadd.s32 v1, v3;
	_ =	sdelay $0x2  }
0x1a0: {  	[tilespmem:s5], [sflag:$0x6] =	stream.indirect_vreg.gather [hbm4b:s6+s2], $0x80, v4, vm0, $0xb8;
	[tilespmem:$0x11000] =	vst v63  }
0x1a1: {  	_ = 	snop  }
0x1a2: {  	[tilespmem:s14], [sflag:$0x6] =	stream.indirect_vreg.gather [hbm4b:s6+s2], $0x80, v3, vm0, $0xb8;
	[tilespmem:$0x11000] =	vst v63  }
0x1a3: {  	v3 =	vld [tilespmem:s1+$0x60];
	_ =	sdelay $0x4  }
0x1a4: {  	v62 =	vshll.u32 v3, $0x1  }
0x1a5: {  	v3 =	vand.u32 $0x7, v3;
	v4 =	vand.u32 $0xFFFFFFF0, v62  }
0x1a6: {  	v3 =	vor.u32 v3, v4  }
0x1a7: {  	v4 =	vperm.xlane v3, v0;
	_ =	sdelay $0x1  }
0x1a8: {  	v3 =	vperm.xlane v3, v2;
	v4 =	vadd.s32 v1, v4;
	_ =	sdelay $0x1  }
0x1a9: {  	v3 =	vadd.s32 v1, v3;
	_ =	sdelay $0x2  }
0x1aa: {  	[tilespmem:s15], [sflag:$0x6] =	stream.indirect_vreg.gather [hbm4b:s6+s2], $0x80, v4, vm0, $0xb8;
	[tilespmem:$0x11000] =	vst v63  }
0x1ab: {  	_ = 	snop  }
0x1ac: {  	[tilespmem:s16], [sflag:$0x6] =	stream.indirect_vreg.gather [hbm4b:s6+s2], $0x80, v3, vm0, $0xb8;
	[tilespmem:$0x11000] =	vst v63  }
0x1ad: {  	v3 =	vld [tilespmem:s1+$0x70];
	_ =	sdelay $0x4  }
0x1ae: {  	v63 =	vshll.u32 v3, $0x1  }
0x1af: {  	v3 =	vand.u32 $0x7, v3;
	v4 =	vand.u32 $0xFFFFFFF0, v63  }
0x1b0: {  	v3 =	vor.u32 v3, v4  }
0x1b1: {  	v4 =	vperm.xlane v3, v0;
	_ =	sdelay $0x1  }
0x1b2: {  	v3 =	vperm.xlane v3, v2;
	v4 =	vadd.s32 v1, v4;
	_ =	sdelay $0x1  }
0x1b3: {  	v3 =	vadd.s32 v1, v3;
	_ =	sdelay $0x2  }
0x1b4: {  	[tilespmem:s17], [sflag:$0x6] =	stream.indirect_vreg.gather [hbm4b:s6+s2], $0x80, v4, vm0, $0xb8;
	[tilespmem:$0x11000] =	vst v63  }
0x1b5: {  	_ = 	snop  }
0x1b6: {  	[tilespmem:s10], [sflag:$0x6] =	stream.indirect_vreg.gather [hbm4b:s6+s2], $0x80, v3, vm0, $0xb8;
	[tilespmem:$0x11000] =	vst v63  }
0x1b7: {  	_ =	swait.ge [sflag:s18], $0x4000  }
0x1b8: {  	s6 =	sadd.s32 s0, s28;
	[sflag:s18] =	ssyncset.done $0x0  }
0x1b9: {  	s11 =	sadd.s32 $0x10000, s6;
	[sflag:s18] =	ssyncadd.s32 $0xFFFFC000  }
0x1ba: {  	[hbm4b:s11+s2] =	stream.linear.scatter [tilespmem:s13], [sflag:$0x7], $0x4000, $0x38;
	[tilespmem:$0x11000] =	vst v63  }
0x1bb: {  	_ =	swait.ge [sflag:s19], $0x4000  }
0x1bc: {  	[sflag:s19] =	ssyncset.done $0x0  }
0x1bd: {  	s11 =	sadd.s32 $0x10800, s6;
	[sflag:s19] =	ssyncadd.s32 $0xFFFFC000  }
0x1be: {  	[hbm4b:s11+s2] =	stream.linear.scatter [tilespmem:s21], [sflag:$0x8], $0x4000, $0x38;
	[tilespmem:$0x11000] =	vst v63  }
0x1bf: {  	_ =	swait.ge [sflag:s20], $0x4000  }
0x1c0: {  	[sflag:s20] =	ssyncset.done $0x0  }
0x1c1: {  	p0 =	sne.s32 s0, $0xE000;
	s11 =	sadd.s32 $0x11000, s6;
	[sflag:s20] =	ssyncadd.s32 $0xFFFFC000  }
0x1c2: {  	[hbm4b:s11+s2] =	stream.linear.scatter [tilespmem:s30], [sflag:$0x9], $0x4000, $0x38;
	[tilespmem:$0x11000] =	vst v63  }
.Ltmp1:
0x1c3: {  	_ = 	snop;
	(pc) =	sbr.rel @p0 .LBB2_5-.Ltmp1, $4  }
0x1c4: {  	_ =	swait.ge [sflag:s22], $0x4000  }
0x1c5: {  	s31 =	sadd.s32 $0x1, s31;
	s1 =	sadd.s32 $0x100, s1;
	[sflag:s22] =	ssyncset.done $0x0  }
0x1c6: {  	s0 =	sadd.s32 $0x2000, s0;
	s6 =	sadd.s32 $0x11800, s6;
	[sflag:s22] =	ssyncadd.s32 $0xFFFFC000  }
0x1c7: {  	[hbm4b:s6+s2] =	stream.linear.scatter [tilespmem:s3], [sflag:$0xA], $0x4000, $0x38;
	[tilespmem:$0x11000] =	vst v63  }
0x1c8: {  	s29 =	sadd.s32 $0x1, s29  }
0x1c9: {  	p0 =	sne.s32 s29, $0x19  }
.Ltmp2:
0x1ca: {  	_ = 	snop;
	(pc) =	sbr.rel @p0 .LBB2_2-.Ltmp2, $2  }
0x1cb: {  	_ =	sdelay $0x2  }
0x1cc: {  	s28 =	sadd.s32 $0x20000, s28  }
0x1cd: {  	_ =	swait.ge [sflag:s23], $0x4000  }
0x1ce: {  	[sflag:s23] =	ssyncset.done $0x0  }
0x1cf: {  	[sflag:s23] =	ssyncadd.s32 $0xFFFFC000  }
0x1d0: {  	_ =	swait.ge [sflag:s24], $0x4000  }
0x1d1: {  	[sflag:s24] =	ssyncset.done $0x0  }
0x1d2: {  	[sflag:s24] =	ssyncadd.s32 $0xFFFFC000  }
0x1d3: {  	_ =	swait.ge [sflag:s25], $0x4000  }
0x1d4: {  	[sflag:s25] =	ssyncset.done $0x0  }
0x1d5: {  	[sflag:s25] =	ssyncadd.s32 $0xFFFFC000  }
0x1d6: {  	_ =	swait.ge [sflag:s26], $0x4000  }
0x1d7: {  	s1 =	rddreg [dreg:$0x9]  }
0x1d8: {  	s0 =	rddreg [dreg:$0x7];
	s1 =	sadd.s32 $0x1, s1  }
0x1d9: {  	p0 =	sne.s32 s1, s0  }
.Ltmp3:
0x1da: {  	_ = 	snop;
	(pc) =	sbr.rel @p0 .LBB2_1-.Ltmp3, $3  }
0x1db: {  	_ =	sdelay $0x1  }
0x1dc: {  	[sflag:s26] =	ssyncset.done $0x0  }
0x1dd: {  	[sflag:s26] =	ssyncadd.s32 $0xFFFFC000  }
0x1de: {  	_ =	sfence.sel $0x180000  }
0x1df: {  	[bflag:$0x0] =	sbarrier.arrive $0xFFFF  }
0x1e0: {  	_ =	strace $0x90000047  }
0x1e1: {  	s0 =	stileid.u32;
	[bflag:$0x2] =	sbarrier.arrive $0xFFFF  }
0x1e2: {  	p0 =	sne.s32 s0, $0x0;
	s0 =	rddreg [dreg:$0x2]  }
0x1e3: {  	s0 =	sadd.s32 @!p0 $0x100000, s0  }
0x1e4: {  	[sflag:s0] =	ssyncadd.tile.s32 @!p0 $0x1;
	_ =	shalt  }
.Lfunc_end2:
_tile_overlayer_lowered:
.L_overlay_start_2:
0x1e5: {  	(tag) =	ssettag $0x2  }
0x1e6: {  	s0 =	rddreg [dreg:$0x0];
	s2 =	stileid.u32  }
0x1e7: {  	s1 =	rddreg [dreg:$0x1];
	p0 =	sne.s32 s2, $0x0  }
0x1e8: {  	s3 =	rddreg [dreg:$0x2];
	[bflag:$0x3] =	sbarrier.arrive $0xFFFF;
	s2 =	simm.s32 @!p0 $0x1C0B  }
0x1e9: {  	[timem:s3], [sflag:s2] =	dma.local @!p0 [hbm:s0], s1  }
0x1ea: {  	s0 =	simm.s32 @!p0 $0xB  }
0x1eb: {  	_ =	swait.ge @!p0 [sflag:s0], s1  }
0x1ec: {  	s1 =	ssub.s32 @!p0 $0x0, s1;
	[sflag:s0] =	ssyncset.done @!p0 $0x0  }
0x1ed: {  	[sflag:s0] =	ssyncadd.s32 @!p0 s1  }
0x1ee: {  	[bflag:$0x3] =	sbarrier.arrive $0xFFFF  }
0x1ef: {  	_ =	shalt  }

</sc_bundles>
